<compile_context>
chip_gen: v7x
topology: tpu7x:2x2x1
jax: 0.10.2.dev20260603
libtpu: 0.0.44.dev20260713+nightly
codegen_flags: <defaults>
</compile_context>

<pallas_src>
import functools
import jax
import jax.numpy as jnp
from jax import lax
from jax.experimental import pallas as pl
from jax.experimental.pallas import tpu as pltpu
from jax.experimental.pallas import tpu_sc as plsc

N_NODES = 10000
N_EDGES = 320000
D = 128

NC = 2
NS = 16
NW = NC * NS
L = 16

N_PAD = 10240
CHUNK = 128
CH = 80
E_PAD = NW * CH * CHUNK
RPT = N_PAD // NS
W = 40
NWIN = CH // W
NBUF = 2

_mesh = plsc.VectorSubcoreMesh(core_axis_name="c", subcore_axis_name="s")



@functools.partial(
    pl.kernel,
    out_type=jax.ShapeDtypeStruct((NW * N_PAD,), jnp.float32),
    mesh=_mesh,
    scratch_types=[
        pltpu.VMEM((CH, CHUNK), jnp.int32),
        pltpu.VMEM((N_PAD,), jnp.float32),
    ],
    compiler_params=pltpu.CompilerParams(needs_layout_passes=False),
)
def _count_kernel(dst_hbm, out_hbm, dst_v, cnt_v):
    w = lax.axis_index("s") * NC + lax.axis_index("c")
    pltpu.sync_copy(dst_hbm.at[w], dst_v)

    zero16 = jnp.zeros((L,), jnp.float32)

    def zbody(i, _):
        cnt_v[pl.ds(i * L, L)] = zero16
        return 0

    lax.fori_loop(0, N_PAD // L, zbody, 0)

    one16 = jnp.ones((L,), jnp.float32)

    def row(j, _):
        def sub(k, _):
            d = dst_v[j, pl.ds(k * L, L)]
            plsc.addupdate_scatter(cnt_v, [d], one16)
            return 0
        lax.fori_loop(0, CHUNK // L, sub, 0)
        return 0

    lax.fori_loop(0, CH, row, 0)
    pltpu.sync_copy(cnt_v, out_hbm.at[pl.ds(w * N_PAD, N_PAD)])



@functools.partial(
    pl.kernel,
    out_type=jax.ShapeDtypeStruct((NC, N_PAD, D), jnp.float32),
    mesh=_mesh,
    scratch_types=[
        pltpu.VMEM((W, CHUNK), jnp.int32),
        pltpu.VMEM((W, CHUNK), jnp.int32),
        pltpu.VMEM((NBUF, CHUNK, D), jnp.float32),
        pltpu.VMEM_SHARED((N_PAD, D), jnp.float32),
        pltpu.SemaphoreType.DMA,
        pltpu.SemaphoreType.DMA,
    ],
)
def _agg_kernel(h_hbm, src_hbm, dst_hbm, zero_hbm, out_hbm,
                src_w, dst_w, rows_v, acc, sg0, sg1):
    c = lax.axis_index("c")
    s = lax.axis_index("s")
    w = s * NC + c
    sg = (sg0, sg1)

    def load_window(win):
        pltpu.sync_copy(src_hbm.at[w, pl.ds(win * W, W)], src_w)
        pltpu.sync_copy(dst_hbm.at[w, pl.ds(win * W, W)], dst_w)
        for b in range(NBUF):
            pltpu.async_copy(h_hbm.at[src_w.at[b]], rows_v.at[b], sg[b])

    load_window(0)
    @pl.when(c == 0)
    def _():
        pltpu.sync_copy(h_hbm.at[pl.ds(s * RPT, RPT)], acc.at[pl.ds(s * RPT, RPT)])

    @pl.when(c != 0)
    def _():
        pltpu.sync_copy(zero_hbm.at[pl.ds(s * RPT, RPT)], acc.at[pl.ds(s * RPT, RPT)])

    plsc.subcore_barrier()

    for win in range(NWIN):
        if win > 0:
            load_window(win)

        def inner(t, _):
            j0 = t * NBUF
            for b in range(NBUF):
                j = j0 + b
                pltpu.make_async_copy(
                    h_hbm.at[src_w.at[j]], rows_v.at[b], sg[b]
                ).wait()
                pltpu.sync_copy(rows_v.at[b], acc.at[dst_w.at[j]], add=True)

                @pl.when(j + NBUF < W)
                def _():
                    pltpu.async_copy(
                        h_hbm.at[src_w.at[j + NBUF]], rows_v.at[b], sg[b]
                    )
            return 0

        lax.fori_loop(0, W // NBUF, inner, 0)
    plsc.subcore_barrier()
    pltpu.sync_copy(acc.at[pl.ds(s * RPT, RPT)], out_hbm.at[c, pl.ds(s * RPT, RPT)])



BLK = 1024


def _dinv_of(cnt_blk):
    deg = jnp.sum(cnt_blk, axis=0) + 1.0
    return lax.rsqrt(deg)


def _mm1_body(cnt_ref, x_ref, w_ref, h_ref):
    dinv = _dinv_of(cnt_ref[...])
    h = jnp.dot(x_ref[...], w_ref[...], preferred_element_type=jnp.float32)
    h_ref[...] = h * dinv[:, None]


def _mid_body(cnt_ref, p_ref, b1_ref, w_ref, x1_ref, h2_ref):
    dinv = _dinv_of(cnt_ref[...])
    agg = p_ref[0] + p_ref[1]
    x1 = jnp.maximum(agg * dinv[:, None] + b1_ref[...], 0.0)
    x1_ref[...] = x1
    h2 = jnp.dot(x1, w_ref[...], preferred_element_type=jnp.float32)
    h2_ref[...] = h2 * dinv[:, None]


def _fin_body(cnt_ref, p_ref, b2_ref, x2_ref):
    dinv = _dinv_of(cnt_ref[...])
    agg = p_ref[0] + p_ref[1]
    x2_ref[...] = agg * dinv[:, None] + b2_ref[...]


_cnt_spec = pl.BlockSpec((NW, BLK), lambda i: (0, i))
_row_spec = pl.BlockSpec((BLK, D), lambda i: (i, 0))
_par_spec = pl.BlockSpec((NC, BLK, D), lambda i: (0, i, 0))
_w_spec = pl.BlockSpec((D, D), lambda i: (0, 0))
_b_spec = pl.BlockSpec((1, D), lambda i: (0, 0))
_grid = (N_PAD // BLK,)

_mm1 = pl.pallas_call(
    _mm1_body,
    grid=_grid,
    in_specs=[_cnt_spec, _row_spec, _w_spec],
    out_specs=_row_spec,
    out_shape=jax.ShapeDtypeStruct((N_PAD, D), jnp.float32),
)

_mid = pl.pallas_call(
    _mid_body,
    grid=_grid,
    in_specs=[_cnt_spec, _par_spec, _b_spec, _w_spec],
    out_specs=[_row_spec, _row_spec],
    out_shape=[
        jax.ShapeDtypeStruct((N_PAD, D), jnp.float32),
        jax.ShapeDtypeStruct((N_PAD, D), jnp.float32),
    ],
)

_fin = pl.pallas_call(
    _fin_body,
    grid=_grid,
    in_specs=[_cnt_spec, _par_spec, _b_spec],
    out_specs=_row_spec,
    out_shape=jax.ShapeDtypeStruct((N_PAD, D), jnp.float32),
)


@jax.jit
def kernel(x, edge_index, W1, b1, W2, b2):
    n_fill = E_PAD - N_EDGES
    fill = jnp.arange(n_fill, dtype=jnp.int32)
    src = jnp.concatenate(
        [edge_index[0], fill % N_NODES]
    ).reshape(NW, CH, CHUNK)
    dst = jnp.concatenate(
        [edge_index[1], N_NODES + (fill % (N_PAD - N_NODES))]
    ).reshape(NW, CH, CHUNK)
    x_pad = jnp.zeros((N_PAD, D), jnp.float32).at[:N_NODES].set(x)
    zeros_init = jnp.zeros((N_PAD, D), jnp.float32)

    cnt_parts = _count_kernel(dst).reshape(NW, N_PAD)
    h1 = _mm1(cnt_parts, x_pad, W1)
    p1 = _agg_kernel(h1, src, dst, zeros_init)
    x1_pad, h2 = _mid(cnt_parts, p1, b1.reshape(1, D), W2)
    p2 = _agg_kernel(h2, src, dst, zeros_init)
    x2_pad = _fin(cnt_parts, p2, b2.reshape(1, D))
    return (x1_pad[:N_NODES], x2_pad[:N_NODES])

# --- scband reference (transcript-rebuilt; emitter-appended) ---
"""Pipeline reference for scband-gcnnet-5781025980438 (READ-ONLY COPY).

The authoritative reference and input builder live on the scoring server;
editing this copy changes nothing except your own understanding.
"""

import jax, jax.numpy as jnp
import numpy as np

N_NODES = 10000
N_EDGES = 320000
D_IN = 128
H_DIM = 128
D_OUT = 128


def setup_inputs(seed: int = 0) -> dict:
    key = jax.random.key(seed)
    k1, k2, k3, k4, k5, k6 = jax.random.split(key, 6)
    x = jax.random.normal(k1, (N_NODES, D_IN), dtype=jnp.float32)
    edge_index = jax.random.randint(k2, (2, N_EDGES), 0, N_NODES, dtype=jnp.int32)
    # glorot-style init for GCNConv linear weights
    s1 = (6.0 / (D_IN + H_DIM)) ** 0.5
    s2 = (6.0 / (H_DIM + D_OUT)) ** 0.5
    W1 = jax.random.uniform(k3, (D_IN, H_DIM), dtype=jnp.float32, minval=-s1, maxval=s1)
    b1 = jnp.zeros((H_DIM,), dtype=jnp.float32)
    W2 = jax.random.uniform(k4, (H_DIM, D_OUT), dtype=jnp.float32, minval=-s2, maxval=s2)
    b2 = jnp.zeros((D_OUT,), dtype=jnp.float32)
    return {"x": x, "edge_index": edge_index, "W1": W1, "b1": b1, "W2": W2, "b2": b2}


def _gcn_conv(x, src, dst, W, b, num_nodes):
    # x @ W first (PyG GCNConv applies linear before propagation)
    h = x @ W
    deg = jnp.zeros((num_nodes,), dtype=h.dtype).at[dst].add(1.0)
    dinv = jnp.where(deg > 0, 1.0 / jnp.sqrt(deg), 0.0)
    norm = dinv[src] * dinv[dst]
    msg = h[src] * norm[:, None]
    out = jnp.zeros((num_nodes, h.shape[1]), dtype=h.dtype).at[dst].add(msg)
    return out + b


def reference(x, edge_index, W1, b1, W2, b2):
    num_nodes = x.shape[0]
    loop = jnp.arange(num_nodes, dtype=edge_index.dtype)
    src = jnp.concatenate([edge_index[0], loop])
    dst = jnp.concatenate([edge_index[1], loop])
    # layer 0 + relu (dropout is identity in eval mode)
    x1 = jax.nn.relu(_gcn_conv(x, src, dst, W1, b1, num_nodes))
    # layer 1
    x2 = _gcn_conv(x1, src, dst, W2, b2, num_nodes)
    return (x1, x2)

if __name__ == "__main__":
    import jax
    _d = setup_inputs()
    print(jax.jit(kernel)(*tuple(_d.values())))

</pallas_src>

<mosaic_0001>
#map = affine_map<(d0, d1) -> (0, 0)>
#map1 = affine_map<(d0, d1) -> (0, 0, 0)>
module attributes {stable_mosaic.version = 14 : i64} {
  func.func @_agg_kernel(%arg0: i32, %arg1: i32, %arg2: memref<10240x128xf32, #tpu.memory_space<hbm>>, %arg3: memref<32x80x128xi32, #tpu.memory_space<hbm>>, %arg4: memref<32x80x128xi32, #tpu.memory_space<hbm>>, %arg5: memref<10240x128xf32, #tpu.memory_space<hbm>>, %arg6: memref<2x10240x128xf32, #tpu.memory_space<hbm>>, %arg7: memref<40x128xi32, #tpu.memory_space<vmem>>, %arg8: memref<40x128xi32, #tpu.memory_space<vmem>>, %arg9: memref<2x128x128xf32, #tpu.memory_space<vmem>>, %arg10: memref<10240x128xf32, #tpu.memory_space<vmem_shared>>, %arg11: memref<!tpu.dma_semaphore, #tpu.memory_space<semaphore_mem>>, %arg12: memref<!tpu.dma_semaphore, #tpu.memory_space<semaphore_mem>>) attributes {dimension_semantics = [#tpu.dimension_semantics<core_parallel>, #tpu.dimension_semantics<subcore_parallel>], iteration_bounds = array<i64: 2, 16>, scalar_prefetch = 0 : i64, scratch_operands = 6 : i64, tpu.core_type = #tpu.core_type<sc_vector_subcore>, window_params = [{transform_indices = #map}, {transform_indices = #map1}, {transform_indices = #map1}, {transform_indices = #map}, {transform_indices = #map1}]} {
    %mul3A = arith.constant 2 : i32
    %mul3A_0 = arith.muli %arg1, %mul3A : i32
    %add3A = arith.addi %mul3A_0, %arg0 : i32
    "tpu.region"() ({
      %run_scoped3A = tpu.sem_alloc : memref<!tpu.dma_semaphore, #tpu.memory_space<semaphore_mem>>
      %dma_start3A_72 = arith.constant 0 : i32
      %dma_start3A_73 = arith.constant 0 : i32
      %dma_start3A_74 = tpu.memref_slice %arg3[%add3A, %dma_start3A_72, %dma_start3A_73] : memref<32x80x128xi32, #tpu.memory_space<hbm>> -> memref<1x40x128xi32, #tpu.memory_space<hbm>>
      %dma_start3A_75 = tpu.memref_squeeze %dma_start3A_74 : memref<1x40x128xi32, #tpu.memory_space<hbm>> -> memref<40x128xi32, #tpu.memory_space<hbm>>
      %dma_start3A_76 = arith.constant 0 : i32
      %dma_start3A_77 = arith.constant 0 : i32
      %dma_start3A_78 = tpu.memref_slice %arg3[%add3A, %dma_start3A_76, %dma_start3A_77] : memref<32x80x128xi32, #tpu.memory_space<hbm>> -> memref<1x40x128xi32, #tpu.memory_space<hbm>>
      %dma_start3A_79 = tpu.memref_squeeze %dma_start3A_78 : memref<1x40x128xi32, #tpu.memory_space<hbm>> -> memref<40x128xi32, #tpu.memory_space<hbm>>
      tpu.enqueue_dma source(%dma_start3A_79 : memref<40x128xi32, #tpu.memory_space<hbm>>) target(%arg7 : memref<40x128xi32, #tpu.memory_space<vmem>>) target_semaphore(%run_scoped3A : memref<!tpu.dma_semaphore, #tpu.memory_space<semaphore_mem>>)
      %dma_wait3A = arith.constant 0 : i32
      %dma_wait3A_80 = arith.constant 0 : i32
      %dma_wait3A_81 = tpu.memref_slice %arg3[%add3A, %dma_wait3A, %dma_wait3A_80] : memref<32x80x128xi32, #tpu.memory_space<hbm>> -> memref<1x40x128xi32, #tpu.memory_space<hbm>>
      %dma_wait3A_82 = tpu.memref_squeeze %dma_wait3A_81 : memref<1x40x128xi32, #tpu.memory_space<hbm>> -> memref<40x128xi32, #tpu.memory_space<hbm>>
      %dma_wait3A_83 = arith.constant 0 : i32
      %dma_wait3A_84 = arith.constant 0 : i32
      %dma_wait3A_85 = tpu.memref_slice %arg3[%add3A, %dma_wait3A_83, %dma_wait3A_84] : memref<32x80x128xi32, #tpu.memory_space<hbm>> -> memref<1x40x128xi32, #tpu.memory_space<hbm>>
      %dma_wait3A_86 = tpu.memref_squeeze %dma_wait3A_85 : memref<1x40x128xi32, #tpu.memory_space<hbm>> -> memref<40x128xi32, #tpu.memory_space<hbm>>
      tpu.wait_dma2 semaphore(%run_scoped3A : memref<!tpu.dma_semaphore, #tpu.memory_space<semaphore_mem>>) src(%dma_wait3A_86 : memref<40x128xi32, #tpu.memory_space<hbm>>) dst(%arg7 : memref<40x128xi32, #tpu.memory_space<vmem>>)
      tpu.yield
    }) : () -> ()
    "tpu.region"() ({
      %run_scoped3A = tpu.sem_alloc : memref<!tpu.dma_semaphore, #tpu.memory_space<semaphore_mem>>
      %dma_start3A_72 = arith.constant 0 : i32
      %dma_start3A_73 = arith.constant 0 : i32
      %dma_start3A_74 = tpu.memref_slice %arg4[%add3A, %dma_start3A_72, %dma_start3A_73] : memref<32x80x128xi32, #tpu.memory_space<hbm>> -> memref<1x40x128xi32, #tpu.memory_space<hbm>>
      %dma_start3A_75 = tpu.memref_squeeze %dma_start3A_74 : memref<1x40x128xi32, #tpu.memory_space<hbm>> -> memref<40x128xi32, #tpu.memory_space<hbm>>
      %dma_start3A_76 = arith.constant 0 : i32
      %dma_start3A_77 = arith.constant 0 : i32
      %dma_start3A_78 = tpu.memref_slice %arg4[%add3A, %dma_start3A_76, %dma_start3A_77] : memref<32x80x128xi32, #tpu.memory_space<hbm>> -> memref<1x40x128xi32, #tpu.memory_space<hbm>>
      %dma_start3A_79 = tpu.memref_squeeze %dma_start3A_78 : memref<1x40x128xi32, #tpu.memory_space<hbm>> -> memref<40x128xi32, #tpu.memory_space<hbm>>
      tpu.enqueue_dma source(%dma_start3A_79 : memref<40x128xi32, #tpu.memory_space<hbm>>) target(%arg8 : memref<40x128xi32, #tpu.memory_space<vmem>>) target_semaphore(%run_scoped3A : memref<!tpu.dma_semaphore, #tpu.memory_space<semaphore_mem>>)
      %dma_wait3A = arith.constant 0 : i32
      %dma_wait3A_80 = arith.constant 0 : i32
      %dma_wait3A_81 = tpu.memref_slice %arg4[%add3A, %dma_wait3A, %dma_wait3A_80] : memref<32x80x128xi32, #tpu.memory_space<hbm>> -> memref<1x40x128xi32, #tpu.memory_space<hbm>>
      %dma_wait3A_82 = tpu.memref_squeeze %dma_wait3A_81 : memref<1x40x128xi32, #tpu.memory_space<hbm>> -> memref<40x128xi32, #tpu.memory_space<hbm>>
      %dma_wait3A_83 = arith.constant 0 : i32
      %dma_wait3A_84 = arith.constant 0 : i32
      %dma_wait3A_85 = tpu.memref_slice %arg4[%add3A, %dma_wait3A_83, %dma_wait3A_84] : memref<32x80x128xi32, #tpu.memory_space<hbm>> -> memref<1x40x128xi32, #tpu.memory_space<hbm>>
      %dma_wait3A_86 = tpu.memref_squeeze %dma_wait3A_85 : memref<1x40x128xi32, #tpu.memory_space<hbm>> -> memref<40x128xi32, #tpu.memory_space<hbm>>
      tpu.wait_dma2 semaphore(%run_scoped3A : memref<!tpu.dma_semaphore, #tpu.memory_space<semaphore_mem>>) src(%dma_wait3A_86 : memref<40x128xi32, #tpu.memory_space<hbm>>) dst(%arg8 : memref<40x128xi32, #tpu.memory_space<vmem>>)
      tpu.yield
    }) : () -> ()
    %dma_start3A = arith.constant 0 : i32
    %dma_start3A_1 = arith.constant 0 : i32
    %dma_start3A_2 = arith.constant 0 : i32
    %dma_start3A_3 = arith.constant 0 : i32
    %dma_start3A_4 = tpu.memref_slice %arg9[%dma_start3A_1, %dma_start3A_2, %dma_start3A_3] : memref<2x128x128xf32, #tpu.memory_space<vmem>> -> memref<1x128x128xf32, #tpu.memory_space<vmem>>
    %dma_start3A_5 = tpu.memref_squeeze %dma_start3A_4 : memref<1x128x128xf32, #tpu.memory_space<vmem>> -> memref<128x128xf32, #tpu.memory_space<vmem>>
    %dma_start3A_6 = arith.constant 0 : i32
    %dma_start3A_7 = tpu.memref_slice %arg7[%dma_start3A, %dma_start3A_6] : memref<40x128xi32, #tpu.memory_space<vmem>> -> memref<1x128xi32, #tpu.memory_space<vmem>>
    %dma_start3A_8 = tpu.memref_squeeze %dma_start3A_7 : memref<1x128xi32, #tpu.memory_space<vmem>> -> memref<128xi32, #tpu.memory_space<vmem>>
    %dma_start3A_9 = arith.constant 0 : i32
    %dma_start3A_10 = arith.constant 0 : i32
    %dma_start3A_11 = tpu.memref_slice %arg2[%dma_start3A_9, %dma_start3A_10] : memref<10240x128xf32, #tpu.memory_space<hbm>> -> memref<10240x128xf32, #tpu.memory_space<hbm>>
    tpu.enqueue_indirect_dma source(%dma_start3A_11 : memref<10240x128xf32, #tpu.memory_space<hbm>>) target(%dma_start3A_5 : memref<128x128xf32, #tpu.memory_space<vmem>>) offsets(%dma_start3A_8 : memref<128xi32, #tpu.memory_space<vmem>>) semaphore(%arg11 : memref<!tpu.dma_semaphore, #tpu.memory_space<semaphore_mem>>)
    %dma_start3A_12 = arith.constant 1 : i32
    %dma_start3A_13 = arith.constant 1 : i32
    %dma_start3A_14 = arith.constant 0 : i32
    %dma_start3A_15 = arith.constant 0 : i32
    %dma_start3A_16 = tpu.memref_slice %arg9[%dma_start3A_13, %dma_start3A_14, %dma_start3A_15] : memref<2x128x128xf32, #tpu.memory_space<vmem>> -> memref<1x128x128xf32, #tpu.memory_space<vmem>>
    %dma_start3A_17 = tpu.memref_squeeze %dma_start3A_16 : memref<1x128x128xf32, #tpu.memory_space<vmem>> -> memref<128x128xf32, #tpu.memory_space<vmem>>
    %dma_start3A_18 = arith.constant 0 : i32
    %dma_start3A_19 = tpu.memref_slice %arg7[%dma_start3A_12, %dma_start3A_18] : memref<40x128xi32, #tpu.memory_space<vmem>> -> memref<1x128xi32, #tpu.memory_space<vmem>>
    %dma_start3A_20 = tpu.memref_squeeze %dma_start3A_19 : memref<1x128xi32, #tpu.memory_space<vmem>> -> memref<128xi32, #tpu.memory_space<vmem>>
    %dma_start3A_21 = arith.constant 0 : i32
    %dma_start3A_22 = arith.constant 0 : i32
    %dma_start3A_23 = tpu.memref_slice %arg2[%dma_start3A_21, %dma_start3A_22] : memref<10240x128xf32, #tpu.memory_space<hbm>> -> memref<10240x128xf32, #tpu.memory_space<hbm>>
    tpu.enqueue_indirect_dma source(%dma_start3A_23 : memref<10240x128xf32, #tpu.memory_space<hbm>>) target(%dma_start3A_17 : memref<128x128xf32, #tpu.memory_space<vmem>>) offsets(%dma_start3A_20 : memref<128xi32, #tpu.memory_space<vmem>>) semaphore(%arg12 : memref<!tpu.dma_semaphore, #tpu.memory_space<semaphore_mem>>)
    %eq3A = arith.constant 0 : i32
    %eq3A_24 = arith.cmpi eq, %arg0, %eq3A : i32
    %convert_element_type3A = arith.extui %eq3A_24 : i1 to i32
    %cond3A = arith.constant 0 : i32
    %cond3A_25 = arith.cmpi ne, %convert_element_type3A, %cond3A : i32
    scf.if %cond3A_25 {
      %mul3A_72 = arith.constant 640 : i32
      %mul3A_73 = arith.muli %arg1, %mul3A_72 : i32
      %mul3A_74 = arith.constant 640 : i32
      %mul3A_75 = arith.muli %arg1, %mul3A_74 : i32
      "tpu.region"() ({
        %run_scoped3A = tpu.sem_alloc : memref<!tpu.dma_semaphore, #tpu.memory_space<semaphore_mem>>
        %dma_start3A_76 = arith.constant 0 : i32
        %dma_start3A_77 = tpu.memref_slice %arg10[%mul3A_75, %dma_start3A_76] : memref<10240x128xf32, #tpu.memory_space<vmem_shared>> -> memref<640x128xf32, #tpu.memory_space<vmem_shared>>
        %dma_start3A_78 = arith.constant 0 : i32
        %dma_start3A_79 = tpu.memref_slice %arg2[%mul3A_73, %dma_start3A_78] : memref<10240x128xf32, #tpu.memory_space<hbm>> -> memref<640x128xf32, #tpu.memory_space<hbm>>
        tpu.enqueue_dma source(%dma_start3A_79 : memref<640x128xf32, #tpu.memory_space<hbm>>) target(%dma_start3A_77 : memref<640x128xf32, #tpu.memory_space<vmem_shared>>) target_semaphore(%run_scoped3A : memref<!tpu.dma_semaphore, #tpu.memory_space<semaphore_mem>>)
        %dma_wait3A = arith.constant 0 : i32
        %dma_wait3A_80 = tpu.memref_slice %arg10[%mul3A_75, %dma_wait3A] : memref<10240x128xf32, #tpu.memory_space<vmem_shared>> -> memref<640x128xf32, #tpu.memory_space<vmem_shared>>
        %dma_wait3A_81 = arith.constant 0 : i32
        %dma_wait3A_82 = tpu.memref_slice %arg2[%mul3A_73, %dma_wait3A_81] : memref<10240x128xf32, #tpu.memory_space<hbm>> -> memref<640x128xf32, #tpu.memory_space<hbm>>
        tpu.wait_dma2 semaphore(%run_scoped3A : memref<!tpu.dma_semaphore, #tpu.memory_space<semaphore_mem>>) src(%dma_wait3A_82 : memref<640x128xf32, #tpu.memory_space<hbm>>) dst(%dma_wait3A_80 : memref<640x128xf32, #tpu.memory_space<vmem_shared>>)
        tpu.yield
      }) : () -> ()
    } else {
    }
    %ne3A = arith.constant 0 : i32
    %ne3A_26 = arith.cmpi ne, %arg0, %ne3A : i32
    %convert_element_type3A_27 = arith.extui %ne3A_26 : i1 to i32
    %cond3A_28 = arith.constant 0 : i32
    %cond3A_29 = arith.cmpi ne, %convert_element_type3A_27, %cond3A_28 : i32
    scf.if %cond3A_29 {
      %mul3A_72 = arith.constant 640 : i32
      %mul3A_73 = arith.muli %arg1, %mul3A_72 : i32
      %mul3A_74 = arith.constant 640 : i32
      %mul3A_75 = arith.muli %arg1, %mul3A_74 : i32
      "tpu.region"() ({
        %run_scoped3A = tpu.sem_alloc : memref<!tpu.dma_semaphore, #tpu.memory_space<semaphore_mem>>
        %dma_start3A_76 = arith.constant 0 : i32
        %dma_start3A_77 = tpu.memref_slice %arg10[%mul3A_75, %dma_start3A_76] : memref<10240x128xf32, #tpu.memory_space<vmem_shared>> -> memref<640x128xf32, #tpu.memory_space<vmem_shared>>
        %dma_start3A_78 = arith.constant 0 : i32
        %dma_start3A_79 = tpu.memref_slice %arg5[%mul3A_73, %dma_start3A_78] : memref<10240x128xf32, #tpu.memory_space<hbm>> -> memref<640x128xf32, #tpu.memory_space<hbm>>
        tpu.enqueue_dma source(%dma_start3A_79 : memref<640x128xf32, #tpu.memory_space<hbm>>) target(%dma_start3A_77 : memref<640x128xf32, #tpu.memory_space<vmem_shared>>) target_semaphore(%run_scoped3A : memref<!tpu.dma_semaphore, #tpu.memory_space<semaphore_mem>>)
        %dma_wait3A = arith.constant 0 : i32
        %dma_wait3A_80 = tpu.memref_slice %arg10[%mul3A_75, %dma_wait3A] : memref<10240x128xf32, #tpu.memory_space<vmem_shared>> -> memref<640x128xf32, #tpu.memory_space<vmem_shared>>
        %dma_wait3A_81 = arith.constant 0 : i32
        %dma_wait3A_82 = tpu.memref_slice %arg5[%mul3A_73, %dma_wait3A_81] : memref<10240x128xf32, #tpu.memory_space<hbm>> -> memref<640x128xf32, #tpu.memory_space<hbm>>
        tpu.wait_dma2 semaphore(%run_scoped3A : memref<!tpu.dma_semaphore, #tpu.memory_space<semaphore_mem>>) src(%dma_wait3A_82 : memref<640x128xf32, #tpu.memory_space<hbm>>) dst(%dma_wait3A_80 : memref<640x128xf32, #tpu.memory_space<vmem_shared>>)
        tpu.yield
      }) : () -> ()
    } else {
    }
    %barrier3A = arith.constant 0 : index
    tpu.barrier barrier_id(%barrier3A)
    %scan3A = arith.constant 0 : i32
    %scan3A_30 = arith.constant 0 : i32
    %scan3A_31 = arith.constant 20 : i32
    %scan3A_32 = arith.addi %scan3A_30, %scan3A_31 : i32
    %scan3A_33 = arith.constant 1 : i32
    %scan3A_34 = scf.for %scan3A_72 = %scan3A_30 to %scan3A_32 step %scan3A_33 iter_args(%scan3A_73 = %scan3A) -> (i32)  : i32 {
      %mul3A_74 = arith.constant 2 : i32
      %mul3A_75 = arith.muli %scan3A_72, %mul3A_74 : i32
      %add3A_76 = arith.constant 0 : i32
      %add3A_77 = arith.addi %mul3A_75, %add3A_76 : i32
      %dma_wait3A = arith.constant 0 : i32
      %dma_wait3A_78 = arith.constant 0 : i32
      %dma_wait3A_79 = arith.constant 0 : i32
      %dma_wait3A_80 = tpu.memref_slice %arg9[%dma_wait3A, %dma_wait3A_78, %dma_wait3A_79] : memref<2x128x128xf32, #tpu.memory_space<vmem>> -> memref<1x128x128xf32, #tpu.memory_space<vmem>>
      %dma_wait3A_81 = tpu.memref_squeeze %dma_wait3A_80 : memref<1x128x128xf32, #tpu.memory_space<vmem>> -> memref<128x128xf32, #tpu.memory_space<vmem>>
      %dma_wait3A_82 = arith.constant 0 : i32
      %dma_wait3A_83 = tpu.memref_slice %arg7[%add3A_77, %dma_wait3A_82] : memref<40x128xi32, #tpu.memory_space<vmem>> -> memref<1x128xi32, #tpu.memory_space<vmem>>
      %dma_wait3A_84 = tpu.memref_squeeze %dma_wait3A_83 : memref<1x128xi32, #tpu.memory_space<vmem>> -> memref<128xi32, #tpu.memory_space<vmem>>
      %dma_wait3A_85 = arith.constant 0 : i32
      %dma_wait3A_86 = arith.constant 0 : i32
      %dma_wait3A_87 = tpu.memref_slice %arg2[%dma_wait3A_85, %dma_wait3A_86] : memref<10240x128xf32, #tpu.memory_space<hbm>> -> memref<10240x128xf32, #tpu.memory_space<hbm>>
      tpu.wait_indirect_dma semaphore(%arg11 : memref<!tpu.dma_semaphore, #tpu.memory_space<semaphore_mem>>) src(%dma_wait3A_87 : memref<10240x128xf32, #tpu.memory_space<hbm>>) dst(%dma_wait3A_81 : memref<128x128xf32, #tpu.memory_space<vmem>>)
      %run_scoped3A = arith.constant 0 : i32
      "tpu.region"() ({
        %run_scoped3A_116 = tpu.sem_alloc : memref<!tpu.dma_semaphore, #tpu.memory_space<semaphore_mem>>
        %dma_start3A_117 = arith.constant 0 : i32
        %dma_start3A_118 = arith.constant 0 : i32
        %dma_start3A_119 = tpu.memref_slice %arg9[%run_scoped3A, %dma_start3A_117, %dma_start3A_118] : memref<2x128x128xf32, #tpu.memory_space<vmem>> -> memref<1x128x128xf32, #tpu.memory_space<vmem>>
        %dma_start3A_120 = tpu.memref_squeeze %dma_start3A_119 : memref<1x128x128xf32, #tpu.memory_space<vmem>> -> memref<128x128xf32, #tpu.memory_space<vmem>>
        %dma_start3A_121 = arith.constant 0 : i32
        %dma_start3A_122 = tpu.memref_slice %arg8[%add3A_77, %dma_start3A_121] : memref<40x128xi32, #tpu.memory_space<vmem>> -> memref<1x128xi32, #tpu.memory_space<vmem>>
        %dma_start3A_123 = tpu.memref_squeeze %dma_start3A_122 : memref<1x128xi32, #tpu.memory_space<vmem>> -> memref<128xi32, #tpu.memory_space<vmem>>
        %dma_start3A_124 = arith.constant 0 : i32
        %dma_start3A_125 = arith.constant 0 : i32
        %dma_start3A_126 = tpu.memref_slice %arg10[%dma_start3A_124, %dma_start3A_125] : memref<10240x128xf32, #tpu.memory_space<vmem_shared>> -> memref<10240x128xf32, #tpu.memory_space<vmem_shared>>
        tpu.enqueue_indirect_dma source(%dma_start3A_120 : memref<128x128xf32, #tpu.memory_space<vmem>>) target(%dma_start3A_126 : memref<10240x128xf32, #tpu.memory_space<vmem_shared>>) offsets(%dma_start3A_123 : memref<128xi32, #tpu.memory_space<vmem>>) semaphore(%run_scoped3A_116 : memref<!tpu.dma_semaphore, #tpu.memory_space<semaphore_mem>>) {add = true}
        %dma_wait3A_127 = arith.constant 0 : i32
        %dma_wait3A_128 = arith.constant 0 : i32
        %dma_wait3A_129 = tpu.memref_slice %arg9[%run_scoped3A, %dma_wait3A_127, %dma_wait3A_128] : memref<2x128x128xf32, #tpu.memory_space<vmem>> -> memref<1x128x128xf32, #tpu.memory_space<vmem>>
        %dma_wait3A_130 = tpu.memref_squeeze %dma_wait3A_129 : memref<1x128x128xf32, #tpu.memory_space<vmem>> -> memref<128x128xf32, #tpu.memory_space<vmem>>
        %dma_wait3A_131 = arith.constant 0 : i32
        %dma_wait3A_132 = tpu.memref_slice %arg8[%add3A_77, %dma_wait3A_131] : memref<40x128xi32, #tpu.memory_space<vmem>> -> memref<1x128xi32, #tpu.memory_space<vmem>>
        %dma_wait3A_133 = tpu.memref_squeeze %dma_wait3A_132 : memref<1x128xi32, #tpu.memory_space<vmem>> -> memref<128xi32, #tpu.memory_space<vmem>>
        %dma_wait3A_134 = arith.constant 0 : i32
        %dma_wait3A_135 = arith.constant 0 : i32
        %dma_wait3A_136 = tpu.memref_slice %arg10[%dma_wait3A_134, %dma_wait3A_135] : memref<10240x128xf32, #tpu.memory_space<vmem_shared>> -> memref<10240x128xf32, #tpu.memory_space<vmem_shared>>
        tpu.wait_indirect_dma semaphore(%run_scoped3A_116 : memref<!tpu.dma_semaphore, #tpu.memory_space<semaphore_mem>>) src(%dma_wait3A_130 : memref<128x128xf32, #tpu.memory_space<vmem>>) dst(%dma_wait3A_136 : memref<10240x128xf32, #tpu.memory_space<vmem_shared>>)
        tpu.yield
      }) : () -> ()
      %add3A_88 = arith.constant 2 : i32
      %add3A_89 = arith.addi %add3A_77, %add3A_88 : i32
      %lt3A = arith.constant 40 : i32
      %lt3A_90 = arith.cmpi slt, %add3A_89, %lt3A : i32
      %convert_element_type3A_91 = arith.extui %lt3A_90 : i1 to i32
      %cond3A_92 = arith.constant 0 : i32
      %cond3A_93 = arith.cmpi ne, %convert_element_type3A_91, %cond3A_92 : i32
      scf.if %cond3A_93 {
        %add3A_116 = arith.constant 2 : i32
        %add3A_117 = arith.addi %add3A_77, %add3A_116 : i32
        %dma_start3A_118 = arith.constant 0 : i32
        %dma_start3A_119 = arith.constant 0 : i32
        %dma_start3A_120 = arith.constant 0 : i32
        %dma_start3A_121 = tpu.memref_slice %arg9[%dma_start3A_118, %dma_start3A_119, %dma_start3A_120] : memref<2x128x128xf32, #tpu.memory_space<vmem>> -> memref<1x128x128xf32, #tpu.memory_space<vmem>>
        %dma_start3A_122 = tpu.memref_squeeze %dma_start3A_121 : memref<1x128x128xf32, #tpu.memory_space<vmem>> -> memref<128x128xf32, #tpu.memory_space<vmem>>
        %dma_start3A_123 = arith.constant 0 : i32
        %dma_start3A_124 = tpu.memref_slice %arg7[%add3A_117, %dma_start3A_123] : memref<40x128xi32, #tpu.memory_space<vmem>> -> memref<1x128xi32, #tpu.memory_space<vmem>>
        %dma_start3A_125 = tpu.memref_squeeze %dma_start3A_124 : memref<1x128xi32, #tpu.memory_space<vmem>> -> memref<128xi32, #tpu.memory_space<vmem>>
        %dma_start3A_126 = arith.constant 0 : i32
        %dma_start3A_127 = arith.constant 0 : i32
        %dma_start3A_128 = tpu.memref_slice %arg2[%dma_start3A_126, %dma_start3A_127] : memref<10240x128xf32, #tpu.memory_space<hbm>> -> memref<10240x128xf32, #tpu.memory_space<hbm>>
        tpu.enqueue_indirect_dma source(%dma_start3A_128 : memref<10240x128xf32, #tpu.memory_space<hbm>>) target(%dma_start3A_122 : memref<128x128xf32, #tpu.memory_space<vmem>>) offsets(%dma_start3A_125 : memref<128xi32, #tpu.memory_space<vmem>>) semaphore(%arg11 : memref<!tpu.dma_semaphore, #tpu.memory_space<semaphore_mem>>)
      } else {
      }
      %add3A_94 = arith.constant 1 : i32
      %add3A_95 = arith.addi %mul3A_75, %add3A_94 : i32
      %dma_wait3A_96 = arith.constant 1 : i32
      %dma_wait3A_97 = arith.constant 0 : i32
      %dma_wait3A_98 = arith.constant 0 : i32
      %dma_wait3A_99 = tpu.memref_slice %arg9[%dma_wait3A_96, %dma_wait3A_97, %dma_wait3A_98] : memref<2x128x128xf32, #tpu.memory_space<vmem>> -> memref<1x128x128xf32, #tpu.memory_space<vmem>>
      %dma_wait3A_100 = tpu.memref_squeeze %dma_wait3A_99 : memref<1x128x128xf32, #tpu.memory_space<vmem>> -> memref<128x128xf32, #tpu.memory_space<vmem>>
      %dma_wait3A_101 = arith.constant 0 : i32
      %dma_wait3A_102 = tpu.memref_slice %arg7[%add3A_95, %dma_wait3A_101] : memref<40x128xi32, #tpu.memory_space<vmem>> -> memref<1x128xi32, #tpu.memory_space<vmem>>
      %dma_wait3A_103 = tpu.memref_squeeze %dma_wait3A_102 : memref<1x128xi32, #tpu.memory_space<vmem>> -> memref<128xi32, #tpu.memory_space<vmem>>
      %dma_wait3A_104 = arith.constant 0 : i32
      %dma_wait3A_105 = arith.constant 0 : i32
      %dma_wait3A_106 = tpu.memref_slice %arg2[%dma_wait3A_104, %dma_wait3A_105] : memref<10240x128xf32, #tpu.memory_space<hbm>> -> memref<10240x128xf32, #tpu.memory_space<hbm>>
      tpu.wait_indirect_dma semaphore(%arg12 : memref<!tpu.dma_semaphore, #tpu.memory_space<semaphore_mem>>) src(%dma_wait3A_106 : memref<10240x128xf32, #tpu.memory_space<hbm>>) dst(%dma_wait3A_100 : memref<128x128xf32, #tpu.memory_space<vmem>>)
      %run_scoped3A_107 = arith.constant 1 : i32
      "tpu.region"() ({
        %run_scoped3A_116 = tpu.sem_alloc : memref<!tpu.dma_semaphore, #tpu.memory_space<semaphore_mem>>
        %dma_start3A_117 = arith.constant 0 : i32
        %dma_start3A_118 = arith.constant 0 : i32
        %dma_start3A_119 = tpu.memref_slice %arg9[%run_scoped3A_107, %dma_start3A_117, %dma_start3A_118] : memref<2x128x128xf32, #tpu.memory_space<vmem>> -> memref<1x128x128xf32, #tpu.memory_space<vmem>>
        %dma_start3A_120 = tpu.memref_squeeze %dma_start3A_119 : memref<1x128x128xf32, #tpu.memory_space<vmem>> -> memref<128x128xf32, #tpu.memory_space<vmem>>
        %dma_start3A_121 = arith.constant 0 : i32
        %dma_start3A_122 = tpu.memref_slice %arg8[%add3A_95, %dma_start3A_121] : memref<40x128xi32, #tpu.memory_space<vmem>> -> memref<1x128xi32, #tpu.memory_space<vmem>>
        %dma_start3A_123 = tpu.memref_squeeze %dma_start3A_122 : memref<1x128xi32, #tpu.memory_space<vmem>> -> memref<128xi32, #tpu.memory_space<vmem>>
        %dma_start3A_124 = arith.constant 0 : i32
        %dma_start3A_125 = arith.constant 0 : i32
        %dma_start3A_126 = tpu.memref_slice %arg10[%dma_start3A_124, %dma_start3A_125] : memref<10240x128xf32, #tpu.memory_space<vmem_shared>> -> memref<10240x128xf32, #tpu.memory_space<vmem_shared>>
        tpu.enqueue_indirect_dma source(%dma_start3A_120 : memref<128x128xf32, #tpu.memory_space<vmem>>) target(%dma_start3A_126 : memref<10240x128xf32, #tpu.memory_space<vmem_shared>>) offsets(%dma_start3A_123 : memref<128xi32, #tpu.memory_space<vmem>>) semaphore(%run_scoped3A_116 : memref<!tpu.dma_semaphore, #tpu.memory_space<semaphore_mem>>) {add = true}
        %dma_wait3A_127 = arith.constant 0 : i32
        %dma_wait3A_128 = arith.constant 0 : i32
        %dma_wait3A_129 = tpu.memref_slice %arg9[%run_scoped3A_107, %dma_wait3A_127, %dma_wait3A_128] : memref<2x128x128xf32, #tpu.memory_space<vmem>> -> memref<1x128x128xf32, #tpu.memory_space<vmem>>
        %dma_wait3A_130 = tpu.memref_squeeze %dma_wait3A_129 : memref<1x128x128xf32, #tpu.memory_space<vmem>> -> memref<128x128xf32, #tpu.memory_space<vmem>>
        %dma_wait3A_131 = arith.constant 0 : i32
        %dma_wait3A_132 = tpu.memref_slice %arg8[%add3A_95, %dma_wait3A_131] : memref<40x128xi32, #tpu.memory_space<vmem>> -> memref<1x128xi32, #tpu.memory_space<vmem>>
        %dma_wait3A_133 = tpu.memref_squeeze %dma_wait3A_132 : memref<1x128xi32, #tpu.memory_space<vmem>> -> memref<128xi32, #tpu.memory_space<vmem>>
        %dma_wait3A_134 = arith.constant 0 : i32
        %dma_wait3A_135 = arith.constant 0 : i32
        %dma_wait3A_136 = tpu.memref_slice %arg10[%dma_wait3A_134, %dma_wait3A_135] : memref<10240x128xf32, #tpu.memory_space<vmem_shared>> -> memref<10240x128xf32, #tpu.memory_space<vmem_shared>>
        tpu.wait_indirect_dma semaphore(%run_scoped3A_116 : memref<!tpu.dma_semaphore, #tpu.memory_space<semaphore_mem>>) src(%dma_wait3A_130 : memref<128x128xf32, #tpu.memory_space<vmem>>) dst(%dma_wait3A_136 : memref<10240x128xf32, #tpu.memory_space<vmem_shared>>)
        tpu.yield
      }) : () -> ()
      %add3A_108 = arith.constant 2 : i32
      %add3A_109 = arith.addi %add3A_95, %add3A_108 : i32
      %lt3A_110 = arith.constant 40 : i32
      %lt3A_111 = arith.cmpi slt, %add3A_109, %lt3A_110 : i32
      %convert_element_type3A_112 = arith.extui %lt3A_111 : i1 to i32
      %cond3A_113 = arith.constant 0 : i32
      %cond3A_114 = arith.cmpi ne, %convert_element_type3A_112, %cond3A_113 : i32
      scf.if %cond3A_114 {
        %add3A_116 = arith.constant 2 : i32
        %add3A_117 = arith.addi %add3A_95, %add3A_116 : i32
        %dma_start3A_118 = arith.constant 1 : i32
        %dma_start3A_119 = arith.constant 0 : i32
        %dma_start3A_120 = arith.constant 0 : i32
        %dma_start3A_121 = tpu.memref_slice %arg9[%dma_start3A_118, %dma_start3A_119, %dma_start3A_120] : memref<2x128x128xf32, #tpu.memory_space<vmem>> -> memref<1x128x128xf32, #tpu.memory_space<vmem>>
        %dma_start3A_122 = tpu.memref_squeeze %dma_start3A_121 : memref<1x128x128xf32, #tpu.memory_space<vmem>> -> memref<128x128xf32, #tpu.memory_space<vmem>>
        %dma_start3A_123 = arith.constant 0 : i32
        %dma_start3A_124 = tpu.memref_slice %arg7[%add3A_117, %dma_start3A_123] : memref<40x128xi32, #tpu.memory_space<vmem>> -> memref<1x128xi32, #tpu.memory_space<vmem>>
        %dma_start3A_125 = tpu.memref_squeeze %dma_start3A_124 : memref<1x128xi32, #tpu.memory_space<vmem>> -> memref<128xi32, #tpu.memory_space<vmem>>
        %dma_start3A_126 = arith.constant 0 : i32
        %dma_start3A_127 = arith.constant 0 : i32
        %dma_start3A_128 = tpu.memref_slice %arg2[%dma_start3A_126, %dma_start3A_127] : memref<10240x128xf32, #tpu.memory_space<hbm>> -> memref<10240x128xf32, #tpu.memory_space<hbm>>
        tpu.enqueue_indirect_dma source(%dma_start3A_128 : memref<10240x128xf32, #tpu.memory_space<hbm>>) target(%dma_start3A_122 : memref<128x128xf32, #tpu.memory_space<vmem>>) offsets(%dma_start3A_125 : memref<128xi32, #tpu.memory_space<vmem>>) semaphore(%arg12 : memref<!tpu.dma_semaphore, #tpu.memory_space<semaphore_mem>>)
      } else {
      }
      %scan3A_115 = arith.constant 0 : i32
      scf.yield %scan3A_115 : i32
    }
    %scan3A_35 = arith.constant 20 : i32
    "tpu.region"() ({
      %run_scoped3A = tpu.sem_alloc : memref<!tpu.dma_semaphore, #tpu.memory_space<semaphore_mem>>
      %dma_start3A_72 = arith.constant 40 : i32
      %dma_start3A_73 = arith.constant 0 : i32
      %dma_start3A_74 = tpu.memref_slice %arg3[%add3A, %dma_start3A_72, %dma_start3A_73] : memref<32x80x128xi32, #tpu.memory_space<hbm>> -> memref<1x40x128xi32, #tpu.memory_space<hbm>>
      %dma_start3A_75 = tpu.memref_squeeze %dma_start3A_74 : memref<1x40x128xi32, #tpu.memory_space<hbm>> -> memref<40x128xi32, #tpu.memory_space<hbm>>
      %dma_start3A_76 = arith.constant 40 : i32
      %dma_start3A_77 = arith.constant 0 : i32
      %dma_start3A_78 = tpu.memref_slice %arg3[%add3A, %dma_start3A_76, %dma_start3A_77] : memref<32x80x128xi32, #tpu.memory_space<hbm>> -> memref<1x40x128xi32, #tpu.memory_space<hbm>>
      %dma_start3A_79 = tpu.memref_squeeze %dma_start3A_78 : memref<1x40x128xi32, #tpu.memory_space<hbm>> -> memref<40x128xi32, #tpu.memory_space<hbm>>
      tpu.enqueue_dma source(%dma_start3A_79 : memref<40x128xi32, #tpu.memory_space<hbm>>) target(%arg7 : memref<40x128xi32, #tpu.memory_space<vmem>>) target_semaphore(%run_scoped3A : memref<!tpu.dma_semaphore, #tpu.memory_space<semaphore_mem>>)
      %dma_wait3A = arith.constant 40 : i32
      %dma_wait3A_80 = arith.constant 0 : i32
      %dma_wait3A_81 = tpu.memref_slice %arg3[%add3A, %dma_wait3A, %dma_wait3A_80] : memref<32x80x128xi32, #tpu.memory_space<hbm>> -> memref<1x40x128xi32, #tpu.memory_space<hbm>>
      %dma_wait3A_82 = tpu.memref_squeeze %dma_wait3A_81 : memref<1x40x128xi32, #tpu.memory_space<hbm>> -> memref<40x128xi32, #tpu.memory_space<hbm>>
      %dma_wait3A_83 = arith.constant 40 : i32
      %dma_wait3A_84 = arith.constant 0 : i32
      %dma_wait3A_85 = tpu.memref_slice %arg3[%add3A, %dma_wait3A_83, %dma_wait3A_84] : memref<32x80x128xi32, #tpu.memory_space<hbm>> -> memref<1x40x128xi32, #tpu.memory_space<hbm>>
      %dma_wait3A_86 = tpu.memref_squeeze %dma_wait3A_85 : memref<1x40x128xi32, #tpu.memory_space<hbm>> -> memref<40x128xi32, #tpu.memory_space<hbm>>
      tpu.wait_dma2 semaphore(%run_scoped3A : memref<!tpu.dma_semaphore, #tpu.memory_space<semaphore_mem>>) src(%dma_wait3A_86 : memref<40x128xi32, #tpu.memory_space<hbm>>) dst(%arg7 : memref<40x128xi32, #tpu.memory_space<vmem>>)
      tpu.yield
    }) : () -> ()
    "tpu.region"() ({
      %run_scoped3A = tpu.sem_alloc : memref<!tpu.dma_semaphore, #tpu.memory_space<semaphore_mem>>
      %dma_start3A_72 = arith.constant 40 : i32
      %dma_start3A_73 = arith.constant 0 : i32
      %dma_start3A_74 = tpu.memref_slice %arg4[%add3A, %dma_start3A_72, %dma_start3A_73] : memref<32x80x128xi32, #tpu.memory_space<hbm>> -> memref<1x40x128xi32, #tpu.memory_space<hbm>>
      %dma_start3A_75 = tpu.memref_squeeze %dma_start3A_74 : memref<1x40x128xi32, #tpu.memory_space<hbm>> -> memref<40x128xi32, #tpu.memory_space<hbm>>
      %dma_start3A_76 = arith.constant 40 : i32
      %dma_start3A_77 = arith.constant 0 : i32
      %dma_start3A_78 = tpu.memref_slice %arg4[%add3A, %dma_start3A_76, %dma_start3A_77] : memref<32x80x128xi32, #tpu.memory_space<hbm>> -> memref<1x40x128xi32, #tpu.memory_space<hbm>>
      %dma_start3A_79 = tpu.memref_squeeze %dma_start3A_78 : memref<1x40x128xi32, #tpu.memory_space<hbm>> -> memref<40x128xi32, #tpu.memory_space<hbm>>
      tpu.enqueue_dma source(%dma_start3A_79 : memref<40x128xi32, #tpu.memory_space<hbm>>) target(%arg8 : memref<40x128xi32, #tpu.memory_space<vmem>>) target_semaphore(%run_scoped3A : memref<!tpu.dma_semaphore, #tpu.memory_space<semaphore_mem>>)
      %dma_wait3A = arith.constant 40 : i32
      %dma_wait3A_80 = arith.constant 0 : i32
      %dma_wait3A_81 = tpu.memref_slice %arg4[%add3A, %dma_wait3A, %dma_wait3A_80] : memref<32x80x128xi32, #tpu.memory_space<hbm>> -> memref<1x40x128xi32, #tpu.memory_space<hbm>>
      %dma_wait3A_82 = tpu.memref_squeeze %dma_wait3A_81 : memref<1x40x128xi32, #tpu.memory_space<hbm>> -> memref<40x128xi32, #tpu.memory_space<hbm>>
      %dma_wait3A_83 = arith.constant 40 : i32
      %dma_wait3A_84 = arith.constant 0 : i32
      %dma_wait3A_85 = tpu.memref_slice %arg4[%add3A, %dma_wait3A_83, %dma_wait3A_84] : memref<32x80x128xi32, #tpu.memory_space<hbm>> -> memref<1x40x128xi32, #tpu.memory_space<hbm>>
      %dma_wait3A_86 = tpu.memref_squeeze %dma_wait3A_85 : memref<1x40x128xi32, #tpu.memory_space<hbm>> -> memref<40x128xi32, #tpu.memory_space<hbm>>
      tpu.wait_dma2 semaphore(%run_scoped3A : memref<!tpu.dma_semaphore, #tpu.memory_space<semaphore_mem>>) src(%dma_wait3A_86 : memref<40x128xi32, #tpu.memory_space<hbm>>) dst(%arg8 : memref<40x128xi32, #tpu.memory_space<vmem>>)
      tpu.yield
    }) : () -> ()
    %dma_start3A_36 = arith.constant 0 : i32
    %dma_start3A_37 = arith.constant 0 : i32
    %dma_start3A_38 = arith.constant 0 : i32
    %dma_start3A_39 = arith.constant 0 : i32
    %dma_start3A_40 = tpu.memref_slice %arg9[%dma_start3A_37, %dma_start3A_38, %dma_start3A_39] : memref<2x128x128xf32, #tpu.memory_space<vmem>> -> memref<1x128x128xf32, #tpu.memory_space<vmem>>
    %dma_start3A_41 = tpu.memref_squeeze %dma_start3A_40 : memref<1x128x128xf32, #tpu.memory_space<vmem>> -> memref<128x128xf32, #tpu.memory_space<vmem>>
    %dma_start3A_42 = arith.constant 0 : i32
    %dma_start3A_43 = tpu.memref_slice %arg7[%dma_start3A_36, %dma_start3A_42] : memref<40x128xi32, #tpu.memory_space<vmem>> -> memref<1x128xi32, #tpu.memory_space<vmem>>
    %dma_start3A_44 = tpu.memref_squeeze %dma_start3A_43 : memref<1x128xi32, #tpu.memory_space<vmem>> -> memref<128xi32, #tpu.memory_space<vmem>>
    %dma_start3A_45 = arith.constant 0 : i32
    %dma_start3A_46 = arith.constant 0 : i32
    %dma_start3A_47 = tpu.memref_slice %arg2[%dma_start3A_45, %dma_start3A_46] : memref<10240x128xf32, #tpu.memory_space<hbm>> -> memref<10240x128xf32, #tpu.memory_space<hbm>>
    tpu.enqueue_indirect_dma source(%dma_start3A_47 : memref<10240x128xf32, #tpu.memory_space<hbm>>) target(%dma_start3A_41 : memref<128x128xf32, #tpu.memory_space<vmem>>) offsets(%dma_start3A_44 : memref<128xi32, #tpu.memory_space<vmem>>) semaphore(%arg11 : memref<!tpu.dma_semaphore, #tpu.memory_space<semaphore_mem>>)
    %dma_start3A_48 = arith.constant 1 : i32
    %dma_start3A_49 = arith.constant 1 : i32
    %dma_start3A_50 = arith.constant 0 : i32
    %dma_start3A_51 = arith.constant 0 : i32
    %dma_start3A_52 = tpu.memref_slice %arg9[%dma_start3A_49, %dma_start3A_50, %dma_start3A_51] : memref<2x128x128xf32, #tpu.memory_space<vmem>> -> memref<1x128x128xf32, #tpu.memory_space<vmem>>
    %dma_start3A_53 = tpu.memref_squeeze %dma_start3A_52 : memref<1x128x128xf32, #tpu.memory_space<vmem>> -> memref<128x128xf32, #tpu.memory_space<vmem>>
    %dma_start3A_54 = arith.constant 0 : i32
    %dma_start3A_55 = tpu.memref_slice %arg7[%dma_start3A_48, %dma_start3A_54] : memref<40x128xi32, #tpu.memory_space<vmem>> -> memref<1x128xi32, #tpu.memory_space<vmem>>
    %dma_start3A_56 = tpu.memref_squeeze %dma_start3A_55 : memref<1x128xi32, #tpu.memory_space<vmem>> -> memref<128xi32, #tpu.memory_space<vmem>>
    %dma_start3A_57 = arith.constant 0 : i32
    %dma_start3A_58 = arith.constant 0 : i32
    %dma_start3A_59 = tpu.memref_slice %arg2[%dma_start3A_57, %dma_start3A_58] : memref<10240x128xf32, #tpu.memory_space<hbm>> -> memref<10240x128xf32, #tpu.memory_space<hbm>>
    tpu.enqueue_indirect_dma source(%dma_start3A_59 : memref<10240x128xf32, #tpu.memory_space<hbm>>) target(%dma_start3A_53 : memref<128x128xf32, #tpu.memory_space<vmem>>) offsets(%dma_start3A_56 : memref<128xi32, #tpu.memory_space<vmem>>) semaphore(%arg12 : memref<!tpu.dma_semaphore, #tpu.memory_space<semaphore_mem>>)
    %scan3A_60 = arith.constant 0 : i32
    %scan3A_61 = arith.constant 0 : i32
    %scan3A_62 = arith.constant 20 : i32
    %scan3A_63 = arith.addi %scan3A_61, %scan3A_62 : i32
    %scan3A_64 = arith.constant 1 : i32
    %scan3A_65 = scf.for %scan3A_72 = %scan3A_61 to %scan3A_63 step %scan3A_64 iter_args(%scan3A_73 = %scan3A_60) -> (i32)  : i32 {
      %mul3A_74 = arith.constant 2 : i32
      %mul3A_75 = arith.muli %scan3A_72, %mul3A_74 : i32
      %add3A_76 = arith.constant 0 : i32
      %add3A_77 = arith.addi %mul3A_75, %add3A_76 : i32
      %dma_wait3A = arith.constant 0 : i32
      %dma_wait3A_78 = arith.constant 0 : i32
      %dma_wait3A_79 = arith.constant 0 : i32
      %dma_wait3A_80 = tpu.memref_slice %arg9[%dma_wait3A, %dma_wait3A_78, %dma_wait3A_79] : memref<2x128x128xf32, #tpu.memory_space<vmem>> -> memref<1x128x128xf32, #tpu.memory_space<vmem>>
      %dma_wait3A_81 = tpu.memref_squeeze %dma_wait3A_80 : memref<1x128x128xf32, #tpu.memory_space<vmem>> -> memref<128x128xf32, #tpu.memory_space<vmem>>
      %dma_wait3A_82 = arith.constant 0 : i32
      %dma_wait3A_83 = tpu.memref_slice %arg7[%add3A_77, %dma_wait3A_82] : memref<40x128xi32, #tpu.memory_space<vmem>> -> memref<1x128xi32, #tpu.memory_space<vmem>>
      %dma_wait3A_84 = tpu.memref_squeeze %dma_wait3A_83 : memref<1x128xi32, #tpu.memory_space<vmem>> -> memref<128xi32, #tpu.memory_space<vmem>>
      %dma_wait3A_85 = arith.constant 0 : i32
      %dma_wait3A_86 = arith.constant 0 : i32
      %dma_wait3A_87 = tpu.memref_slice %arg2[%dma_wait3A_85, %dma_wait3A_86] : memref<10240x128xf32, #tpu.memory_space<hbm>> -> memref<10240x128xf32, #tpu.memory_space<hbm>>
      tpu.wait_indirect_dma semaphore(%arg11 : memref<!tpu.dma_semaphore, #tpu.memory_space<semaphore_mem>>) src(%dma_wait3A_87 : memref<10240x128xf32, #tpu.memory_space<hbm>>) dst(%dma_wait3A_81 : memref<128x128xf32, #tpu.memory_space<vmem>>)
      %run_scoped3A = arith.constant 0 : i32
      "tpu.region"() ({
        %run_scoped3A_116 = tpu.sem_alloc : memref<!tpu.dma_semaphore, #tpu.memory_space<semaphore_mem>>
        %dma_start3A_117 = arith.constant 0 : i32
        %dma_start3A_118 = arith.constant 0 : i32
        %dma_start3A_119 = tpu.memref_slice %arg9[%run_scoped3A, %dma_start3A_117, %dma_start3A_118] : memref<2x128x128xf32, #tpu.memory_space<vmem>> -> memref<1x128x128xf32, #tpu.memory_space<vmem>>
        %dma_start3A_120 = tpu.memref_squeeze %dma_start3A_119 : memref<1x128x128xf32, #tpu.memory_space<vmem>> -> memref<128x128xf32, #tpu.memory_space<vmem>>
        %dma_start3A_121 = arith.constant 0 : i32
        %dma_start3A_122 = tpu.memref_slice %arg8[%add3A_77, %dma_start3A_121] : memref<40x128xi32, #tpu.memory_space<vmem>> -> memref<1x128xi32, #tpu.memory_space<vmem>>
        %dma_start3A_123 = tpu.memref_squeeze %dma_start3A_122 : memref<1x128xi32, #tpu.memory_space<vmem>> -> memref<128xi32, #tpu.memory_space<vmem>>
        %dma_start3A_124 = arith.constant 0 : i32
        %dma_start3A_125 = arith.constant 0 : i32
        %dma_start3A_126 = tpu.memref_slice %arg10[%dma_start3A_124, %dma_start3A_125] : memref<10240x128xf32, #tpu.memory_space<vmem_shared>> -> memref<10240x128xf32, #tpu.memory_space<vmem_shared>>
        tpu.enqueue_indirect_dma source(%dma_start3A_120 : memref<128x128xf32, #tpu.memory_space<vmem>>) target(%dma_start3A_126 : memref<10240x128xf32, #tpu.memory_space<vmem_shared>>) offsets(%dma_start3A_123 : memref<128xi32, #tpu.memory_space<vmem>>) semaphore(%run_scoped3A_116 : memref<!tpu.dma_semaphore, #tpu.memory_space<semaphore_mem>>) {add = true}
        %dma_wait3A_127 = arith.constant 0 : i32
        %dma_wait3A_128 = arith.constant 0 : i32
        %dma_wait3A_129 = tpu.memref_slice %arg9[%run_scoped3A, %dma_wait3A_127, %dma_wait3A_128] : memref<2x128x128xf32, #tpu.memory_space<vmem>> -> memref<1x128x128xf32, #tpu.memory_space<vmem>>
        %dma_wait3A_130 = tpu.memref_squeeze %dma_wait3A_129 : memref<1x128x128xf32, #tpu.memory_space<vmem>> -> memref<128x128xf32, #tpu.memory_space<vmem>>
        %dma_wait3A_131 = arith.constant 0 : i32
        %dma_wait3A_132 = tpu.memref_slice %arg8[%add3A_77, %dma_wait3A_131] : memref<40x128xi32, #tpu.memory_space<vmem>> -> memref<1x128xi32, #tpu.memory_space<vmem>>
        %dma_wait3A_133 = tpu.memref_squeeze %dma_wait3A_132 : memref<1x128xi32, #tpu.memory_space<vmem>> -> memref<128xi32, #tpu.memory_space<vmem>>
        %dma_wait3A_134 = arith.constant 0 : i32
        %dma_wait3A_135 = arith.constant 0 : i32
        %dma_wait3A_136 = tpu.memref_slice %arg10[%dma_wait3A_134, %dma_wait3A_135] : memref<10240x128xf32, #tpu.memory_space<vmem_shared>> -> memref<10240x128xf32, #tpu.memory_space<vmem_shared>>
        tpu.wait_indirect_dma semaphore(%run_scoped3A_116 : memref<!tpu.dma_semaphore, #tpu.memory_space<semaphore_mem>>) src(%dma_wait3A_130 : memref<128x128xf32, #tpu.memory_space<vmem>>) dst(%dma_wait3A_136 : memref<10240x128xf32, #tpu.memory_space<vmem_shared>>)
        tpu.yield
      }) : () -> ()
      %add3A_88 = arith.constant 2 : i32
      %add3A_89 = arith.addi %add3A_77, %add3A_88 : i32
      %lt3A = arith.constant 40 : i32
      %lt3A_90 = arith.cmpi slt, %add3A_89, %lt3A : i32
      %convert_element_type3A_91 = arith.extui %lt3A_90 : i1 to i32
      %cond3A_92 = arith.constant 0 : i32
      %cond3A_93 = arith.cmpi ne, %convert_element_type3A_91, %cond3A_92 : i32
      scf.if %cond3A_93 {
        %add3A_116 = arith.constant 2 : i32
        %add3A_117 = arith.addi %add3A_77, %add3A_116 : i32
        %dma_start3A_118 = arith.constant 0 : i32
        %dma_start3A_119 = arith.constant 0 : i32
        %dma_start3A_120 = arith.constant 0 : i32
        %dma_start3A_121 = tpu.memref_slice %arg9[%dma_start3A_118, %dma_start3A_119, %dma_start3A_120] : memref<2x128x128xf32, #tpu.memory_space<vmem>> -> memref<1x128x128xf32, #tpu.memory_space<vmem>>
        %dma_start3A_122 = tpu.memref_squeeze %dma_start3A_121 : memref<1x128x128xf32, #tpu.memory_space<vmem>> -> memref<128x128xf32, #tpu.memory_space<vmem>>
        %dma_start3A_123 = arith.constant 0 : i32
        %dma_start3A_124 = tpu.memref_slice %arg7[%add3A_117, %dma_start3A_123] : memref<40x128xi32, #tpu.memory_space<vmem>> -> memref<1x128xi32, #tpu.memory_space<vmem>>
        %dma_start3A_125 = tpu.memref_squeeze %dma_start3A_124 : memref<1x128xi32, #tpu.memory_space<vmem>> -> memref<128xi32, #tpu.memory_space<vmem>>
        %dma_start3A_126 = arith.constant 0 : i32
        %dma_start3A_127 = arith.constant 0 : i32
        %dma_start3A_128 = tpu.memref_slice %arg2[%dma_start3A_126, %dma_start3A_127] : memref<10240x128xf32, #tpu.memory_space<hbm>> -> memref<10240x128xf32, #tpu.memory_space<hbm>>
        tpu.enqueue_indirect_dma source(%dma_start3A_128 : memref<10240x128xf32, #tpu.memory_space<hbm>>) target(%dma_start3A_122 : memref<128x128xf32, #tpu.memory_space<vmem>>) offsets(%dma_start3A_125 : memref<128xi32, #tpu.memory_space<vmem>>) semaphore(%arg11 : memref<!tpu.dma_semaphore, #tpu.memory_space<semaphore_mem>>)
      } else {
      }
      %add3A_94 = arith.constant 1 : i32
      %add3A_95 = arith.addi %mul3A_75, %add3A_94 : i32
      %dma_wait3A_96 = arith.constant 1 : i32
      %dma_wait3A_97 = arith.constant 0 : i32
      %dma_wait3A_98 = arith.constant 0 : i32
      %dma_wait3A_99 = tpu.memref_slice %arg9[%dma_wait3A_96, %dma_wait3A_97, %dma_wait3A_98] : memref<2x128x128xf32, #tpu.memory_space<vmem>> -> memref<1x128x128xf32, #tpu.memory_space<vmem>>
      %dma_wait3A_100 = tpu.memref_squeeze %dma_wait3A_99 : memref<1x128x128xf32, #tpu.memory_space<vmem>> -> memref<128x128xf32, #tpu.memory_space<vmem>>
      %dma_wait3A_101 = arith.constant 0 : i32
      %dma_wait3A_102 = tpu.memref_slice %arg7[%add3A_95, %dma_wait3A_101] : memref<40x128xi32, #tpu.memory_space<vmem>> -> memref<1x128xi32, #tpu.memory_space<vmem>>
      %dma_wait3A_103 = tpu.memref_squeeze %dma_wait3A_102 : memref<1x128xi32, #tpu.memory_space<vmem>> -> memref<128xi32, #tpu.memory_space<vmem>>
      %dma_wait3A_104 = arith.constant 0 : i32
      %dma_wait3A_105 = arith.constant 0 : i32
      %dma_wait3A_106 = tpu.memref_slice %arg2[%dma_wait3A_104, %dma_wait3A_105] : memref<10240x128xf32, #tpu.memory_space<hbm>> -> memref<10240x128xf32, #tpu.memory_space<hbm>>
      tpu.wait_indirect_dma semaphore(%arg12 : memref<!tpu.dma_semaphore, #tpu.memory_space<semaphore_mem>>) src(%dma_wait3A_106 : memref<10240x128xf32, #tpu.memory_space<hbm>>) dst(%dma_wait3A_100 : memref<128x128xf32, #tpu.memory_space<vmem>>)
      %run_scoped3A_107 = arith.constant 1 : i32
      "tpu.region"() ({
        %run_scoped3A_116 = tpu.sem_alloc : memref<!tpu.dma_semaphore, #tpu.memory_space<semaphore_mem>>
        %dma_start3A_117 = arith.constant 0 : i32
        %dma_start3A_118 = arith.constant 0 : i32
        %dma_start3A_119 = tpu.memref_slice %arg9[%run_scoped3A_107, %dma_start3A_117, %dma_start3A_118] : memref<2x128x128xf32, #tpu.memory_space<vmem>> -> memref<1x128x128xf32, #tpu.memory_space<vmem>>
        %dma_start3A_120 = tpu.memref_squeeze %dma_start3A_119 : memref<1x128x128xf32, #tpu.memory_space<vmem>> -> memref<128x128xf32, #tpu.memory_space<vmem>>
        %dma_start3A_121 = arith.constant 0 : i32
        %dma_start3A_122 = tpu.memref_slice %arg8[%add3A_95, %dma_start3A_121] : memref<40x128xi32, #tpu.memory_space<vmem>> -> memref<1x128xi32, #tpu.memory_space<vmem>>
        %dma_start3A_123 = tpu.memref_squeeze %dma_start3A_122 : memref<1x128xi32, #tpu.memory_space<vmem>> -> memref<128xi32, #tpu.memory_space<vmem>>
        %dma_start3A_124 = arith.constant 0 : i32
        %dma_start3A_125 = arith.constant 0 : i32
        %dma_start3A_126 = tpu.memref_slice %arg10[%dma_start3A_124, %dma_start3A_125] : memref<10240x128xf32, #tpu.memory_space<vmem_shared>> -> memref<10240x128xf32, #tpu.memory_space<vmem_shared>>
        tpu.enqueue_indirect_dma source(%dma_start3A_120 : memref<128x128xf32, #tpu.memory_space<vmem>>) target(%dma_start3A_126 : memref<10240x128xf32, #tpu.memory_space<vmem_shared>>) offsets(%dma_start3A_123 : memref<128xi32, #tpu.memory_space<vmem>>) semaphore(%run_scoped3A_116 : memref<!tpu.dma_semaphore, #tpu.memory_space<semaphore_mem>>) {add = true}
        %dma_wait3A_127 = arith.constant 0 : i32
        %dma_wait3A_128 = arith.constant 0 : i32
        %dma_wait3A_129 = tpu.memref_slice %arg9[%run_scoped3A_107, %dma_wait3A_127, %dma_wait3A_128] : memref<2x128x128xf32, #tpu.memory_space<vmem>> -> memref<1x128x128xf32, #tpu.memory_space<vmem>>
        %dma_wait3A_130 = tpu.memref_squeeze %dma_wait3A_129 : memref<1x128x128xf32, #tpu.memory_space<vmem>> -> memref<128x128xf32, #tpu.memory_space<vmem>>
        %dma_wait3A_131 = arith.constant 0 : i32
        %dma_wait3A_132 = tpu.memref_slice %arg8[%add3A_95, %dma_wait3A_131] : memref<40x128xi32, #tpu.memory_space<vmem>> -> memref<1x128xi32, #tpu.memory_space<vmem>>
        %dma_wait3A_133 = tpu.memref_squeeze %dma_wait3A_132 : memref<1x128xi32, #tpu.memory_space<vmem>> -> memref<128xi32, #tpu.memory_space<vmem>>
        %dma_wait3A_134 = arith.constant 0 : i32
        %dma_wait3A_135 = arith.constant 0 : i32
        %dma_wait3A_136 = tpu.memref_slice %arg10[%dma_wait3A_134, %dma_wait3A_135] : memref<10240x128xf32, #tpu.memory_space<vmem_shared>> -> memref<10240x128xf32, #tpu.memory_space<vmem_shared>>
        tpu.wait_indirect_dma semaphore(%run_scoped3A_116 : memref<!tpu.dma_semaphore, #tpu.memory_space<semaphore_mem>>) src(%dma_wait3A_130 : memref<128x128xf32, #tpu.memory_space<vmem>>) dst(%dma_wait3A_136 : memref<10240x128xf32, #tpu.memory_space<vmem_shared>>)
        tpu.yield
      }) : () -> ()
      %add3A_108 = arith.constant 2 : i32
      %add3A_109 = arith.addi %add3A_95, %add3A_108 : i32
      %lt3A_110 = arith.constant 40 : i32
      %lt3A_111 = arith.cmpi slt, %add3A_109, %lt3A_110 : i32
      %convert_element_type3A_112 = arith.extui %lt3A_111 : i1 to i32
      %cond3A_113 = arith.constant 0 : i32
      %cond3A_114 = arith.cmpi ne, %convert_element_type3A_112, %cond3A_113 : i32
      scf.if %cond3A_114 {
        %add3A_116 = arith.constant 2 : i32
        %add3A_117 = arith.addi %add3A_95, %add3A_116 : i32
        %dma_start3A_118 = arith.constant 1 : i32
        %dma_start3A_119 = arith.constant 0 : i32
        %dma_start3A_120 = arith.constant 0 : i32
        %dma_start3A_121 = tpu.memref_slice %arg9[%dma_start3A_118, %dma_start3A_119, %dma_start3A_120] : memref<2x128x128xf32, #tpu.memory_space<vmem>> -> memref<1x128x128xf32, #tpu.memory_space<vmem>>
        %dma_start3A_122 = tpu.memref_squeeze %dma_start3A_121 : memref<1x128x128xf32, #tpu.memory_space<vmem>> -> memref<128x128xf32, #tpu.memory_space<vmem>>
        %dma_start3A_123 = arith.constant 0 : i32
        %dma_start3A_124 = tpu.memref_slice %arg7[%add3A_117, %dma_start3A_123] : memref<40x128xi32, #tpu.memory_space<vmem>> -> memref<1x128xi32, #tpu.memory_space<vmem>>
        %dma_start3A_125 = tpu.memref_squeeze %dma_start3A_124 : memref<1x128xi32, #tpu.memory_space<vmem>> -> memref<128xi32, #tpu.memory_space<vmem>>
        %dma_start3A_126 = arith.constant 0 : i32
        %dma_start3A_127 = arith.constant 0 : i32
        %dma_start3A_128 = tpu.memref_slice %arg2[%dma_start3A_126, %dma_start3A_127] : memref<10240x128xf32, #tpu.memory_space<hbm>> -> memref<10240x128xf32, #tpu.memory_space<hbm>>
        tpu.enqueue_indirect_dma source(%dma_start3A_128 : memref<10240x128xf32, #tpu.memory_space<hbm>>) target(%dma_start3A_122 : memref<128x128xf32, #tpu.memory_space<vmem>>) offsets(%dma_start3A_125 : memref<128xi32, #tpu.memory_space<vmem>>) semaphore(%arg12 : memref<!tpu.dma_semaphore, #tpu.memory_space<semaphore_mem>>)
      } else {
      }
      %scan3A_115 = arith.constant 0 : i32
      scf.yield %scan3A_115 : i32
    }
    %scan3A_66 = arith.constant 20 : i32
    %barrier3A_67 = arith.constant 0 : index
    tpu.barrier barrier_id(%barrier3A_67)
    %mul3A_68 = arith.constant 640 : i32
    %mul3A_69 = arith.muli %arg1, %mul3A_68 : i32
    %mul3A_70 = arith.constant 640 : i32
    %mul3A_71 = arith.muli %arg1, %mul3A_70 : i32
    "tpu.region"() ({
      %run_scoped3A = tpu.sem_alloc : memref<!tpu.dma_semaphore, #tpu.memory_space<semaphore_mem>>
      %dma_start3A_72 = arith.constant 0 : i32
      %dma_start3A_73 = tpu.memref_slice %arg6[%arg0, %mul3A_71, %dma_start3A_72] : memref<2x10240x128xf32, #tpu.memory_space<hbm>> -> memref<1x640x128xf32, #tpu.memory_space<hbm>>
      %dma_start3A_74 = tpu.memref_squeeze %dma_start3A_73 : memref<1x640x128xf32, #tpu.memory_space<hbm>> -> memref<640x128xf32, #tpu.memory_space<hbm>>
      %dma_start3A_75 = arith.constant 0 : i32
      %dma_start3A_76 = tpu.memref_slice %arg10[%mul3A_69, %dma_start3A_75] : memref<10240x128xf32, #tpu.memory_space<vmem_shared>> -> memref<640x128xf32, #tpu.memory_space<vmem_shared>>
      tpu.enqueue_dma source(%dma_start3A_76 : memref<640x128xf32, #tpu.memory_space<vmem_shared>>) target(%dma_start3A_74 : memref<640x128xf32, #tpu.memory_space<hbm>>) target_semaphore(%run_scoped3A : memref<!tpu.dma_semaphore, #tpu.memory_space<semaphore_mem>>)
      %dma_wait3A = arith.constant 0 : i32
      %dma_wait3A_77 = tpu.memref_slice %arg6[%arg0, %mul3A_71, %dma_wait3A] : memref<2x10240x128xf32, #tpu.memory_space<hbm>> -> memref<1x640x128xf32, #tpu.memory_space<hbm>>
      %dma_wait3A_78 = tpu.memref_squeeze %dma_wait3A_77 : memref<1x640x128xf32, #tpu.memory_space<hbm>> -> memref<640x128xf32, #tpu.memory_space<hbm>>
      %dma_wait3A_79 = arith.constant 0 : i32
      %dma_wait3A_80 = tpu.memref_slice %arg10[%mul3A_69, %dma_wait3A_79] : memref<10240x128xf32, #tpu.memory_space<vmem_shared>> -> memref<640x128xf32, #tpu.memory_space<vmem_shared>>
      tpu.wait_dma2 semaphore(%run_scoped3A : memref<!tpu.dma_semaphore, #tpu.memory_space<semaphore_mem>>) src(%dma_wait3A_80 : memref<640x128xf32, #tpu.memory_space<vmem_shared>>) dst(%dma_wait3A_78 : memref<640x128xf32, #tpu.memory_space<hbm>>)
      tpu.yield
    }) : () -> ()
    return
  }
}

#map = affine_map<(d0, d1) -> (0, 0)>
#map1 = affine_map<(d0, d1) -> (0, 0, 0)>
module attributes {stable_mosaic.version = 14 : i64} {
  func.func @_agg_kernel(%arg0: i32, %arg1: i32, %arg2: memref<10240x128xf32, #tpu.memory_space<hbm>>, %arg3: memref<32x80x128xi32, #tpu.memory_space<hbm>>, %arg4: memref<32x80x128xi32, #tpu.memory_space<hbm>>, %arg5: memref<10240x128xf32, #tpu.memory_space<hbm>>, %arg6: memref<2x10240x128xf32, #tpu.memory_space<hbm>>, %arg7: memref<40x128xi32, #tpu.memory_space<vmem>>, %arg8: memref<40x128xi32, #tpu.memory_space<vmem>>, %arg9: memref<2x128x128xf32, #tpu.memory_space<vmem>>, %arg10: memref<10240x128xf32, #tpu.memory_space<vmem_shared>>, %arg11: memref<!tpu.dma_semaphore, #tpu.memory_space<semaphore_mem>>, %arg12: memref<!tpu.dma_semaphore, #tpu.memory_space<semaphore_mem>>) attributes {dimension_semantics = [#tpu.dimension_semantics<core_parallel>, #tpu.dimension_semantics<subcore_parallel>], iteration_bounds = array<i64: 2, 16>, scalar_prefetch = 0 : i64, scratch_operands = 6 : i64, tpu.core_type = #tpu.core_type<sc_vector_subcore>, window_params = [{transform_indices = #map}, {transform_indices = #map1}, {transform_indices = #map1}, {transform_indices = #map}, {transform_indices = #map1}]} {
    %mul3A = arith.constant 2 : i32
    %mul3A_0 = arith.muli %arg1, %mul3A : i32
    %add3A = arith.addi %mul3A_0, %arg0 : i32
    "tpu.region"() ({
      %run_scoped3A = tpu.sem_alloc : memref<!tpu.dma_semaphore, #tpu.memory_space<semaphore_mem>>
      %dma_start3A_72 = arith.constant 0 : i32
      %dma_start3A_73 = arith.constant 0 : i32
      %dma_start3A_74 = tpu.memref_slice %arg3[%add3A, %dma_start3A_72, %dma_start3A_73] : memref<32x80x128xi32, #tpu.memory_space<hbm>> -> memref<1x40x128xi32, #tpu.memory_space<hbm>>
      %dma_start3A_75 = tpu.memref_squeeze %dma_start3A_74 : memref<1x40x128xi32, #tpu.memory_space<hbm>> -> memref<40x128xi32, #tpu.memory_space<hbm>>
      %dma_start3A_76 = arith.constant 0 : i32
      %dma_start3A_77 = arith.constant 0 : i32
      %dma_start3A_78 = tpu.memref_slice %arg3[%add3A, %dma_start3A_76, %dma_start3A_77] : memref<32x80x128xi32, #tpu.memory_space<hbm>> -> memref<1x40x128xi32, #tpu.memory_space<hbm>>
      %dma_start3A_79 = tpu.memref_squeeze %dma_start3A_78 : memref<1x40x128xi32, #tpu.memory_space<hbm>> -> memref<40x128xi32, #tpu.memory_space<hbm>>
      tpu.enqueue_dma source(%dma_start3A_79 : memref<40x128xi32, #tpu.memory_space<hbm>>) target(%arg7 : memref<40x128xi32, #tpu.memory_space<vmem>>) target_semaphore(%run_scoped3A : memref<!tpu.dma_semaphore, #tpu.memory_space<semaphore_mem>>)
      %dma_wait3A = arith.constant 0 : i32
      %dma_wait3A_80 = arith.constant 0 : i32
      %dma_wait3A_81 = tpu.memref_slice %arg3[%add3A, %dma_wait3A, %dma_wait3A_80] : memref<32x80x128xi32, #tpu.memory_space<hbm>> -> memref<1x40x128xi32, #tpu.memory_space<hbm>>
      %dma_wait3A_82 = tpu.memref_squeeze %dma_wait3A_81 : memref<1x40x128xi32, #tpu.memory_space<hbm>> -> memref<40x128xi32, #tpu.memory_space<hbm>>
      %dma_wait3A_83 = arith.constant 0 : i32
      %dma_wait3A_84 = arith.constant 0 : i32
      %dma_wait3A_85 = tpu.memref_slice %arg3[%add3A, %dma_wait3A_83, %dma_wait3A_84] : memref<32x80x128xi32, #tpu.memory_space<hbm>> -> memref<1x40x128xi32, #tpu.memory_space<hbm>>
      %dma_wait3A_86 = tpu.memref_squeeze %dma_wait3A_85 : memref<1x40x128xi32, #tpu.memory_space<hbm>> -> memref<40x128xi32, #tpu.memory_space<hbm>>
      tpu.wait_dma2 semaphore(%run_scoped3A : memref<!tpu.dma_semaphore, #tpu.memory_space<semaphore_mem>>) src(%dma_wait3A_86 : memref<40x128xi32, #tpu.memory_space<hbm>>) dst(%arg7 : memref<40x128xi32, #tpu.memory_space<vmem>>)
      tpu.yield
    }) : () -> ()
    "tpu.region"() ({
      %run_scoped3A = tpu.sem_alloc : memref<!tpu.dma_semaphore, #tpu.memory_space<semaphore_mem>>
      %dma_start3A_72 = arith.constant 0 : i32
      %dma_start3A_73 = arith.constant 0 : i32
      %dma_start3A_74 = tpu.memref_slice %arg4[%add3A, %dma_start3A_72, %dma_start3A_73] : memref<32x80x128xi32, #tpu.memory_space<hbm>> -> memref<1x40x128xi32, #tpu.memory_space<hbm>>
      %dma_start3A_75 = tpu.memref_squeeze %dma_start3A_74 : memref<1x40x128xi32, #tpu.memory_space<hbm>> -> memref<40x128xi32, #tpu.memory_space<hbm>>
      %dma_start3A_76 = arith.constant 0 : i32
      %dma_start3A_77 = arith.constant 0 : i32
      %dma_start3A_78 = tpu.memref_slice %arg4[%add3A, %dma_start3A_76, %dma_start3A_77] : memref<32x80x128xi32, #tpu.memory_space<hbm>> -> memref<1x40x128xi32, #tpu.memory_space<hbm>>
      %dma_start3A_79 = tpu.memref_squeeze %dma_start3A_78 : memref<1x40x128xi32, #tpu.memory_space<hbm>> -> memref<40x128xi32, #tpu.memory_space<hbm>>
      tpu.enqueue_dma source(%dma_start3A_79 : memref<40x128xi32, #tpu.memory_space<hbm>>) target(%arg8 : memref<40x128xi32, #tpu.memory_space<vmem>>) target_semaphore(%run_scoped3A : memref<!tpu.dma_semaphore, #tpu.memory_space<semaphore_mem>>)
      %dma_wait3A = arith.constant 0 : i32
      %dma_wait3A_80 = arith.constant 0 : i32
      %dma_wait3A_81 = tpu.memref_slice %arg4[%add3A, %dma_wait3A, %dma_wait3A_80] : memref<32x80x128xi32, #tpu.memory_space<hbm>> -> memref<1x40x128xi32, #tpu.memory_space<hbm>>
      %dma_wait3A_82 = tpu.memref_squeeze %dma_wait3A_81 : memref<1x40x128xi32, #tpu.memory_space<hbm>> -> memref<40x128xi32, #tpu.memory_space<hbm>>
      %dma_wait3A_83 = arith.constant 0 : i32
      %dma_wait3A_84 = arith.constant 0 : i32
      %dma_wait3A_85 = tpu.memref_slice %arg4[%add3A, %dma_wait3A_83, %dma_wait3A_84] : memref<32x80x128xi32, #tpu.memory_space<hbm>> -> memref<1x40x128xi32, #tpu.memory_space<hbm>>
      %dma_wait3A_86 = tpu.memref_squeeze %dma_wait3A_85 : memref<1x40x128xi32, #tpu.memory_space<hbm>> -> memref<40x128xi32, #tpu.memory_space<hbm>>
      tpu.wait_dma2 semaphore(%run_scoped3A : memref<!tpu.dma_semaphore, #tpu.memory_space<semaphore_mem>>) src(%dma_wait3A_86 : memref<40x128xi32, #tpu.memory_space<hbm>>) dst(%arg8 : memref<40x128xi32, #tpu.memory_space<vmem>>)
      tpu.yield
    }) : () -> ()
    %dma_start3A = arith.constant 0 : i32
    %dma_start3A_1 = arith.constant 0 : i32
    %dma_start3A_2 = arith.constant 0 : i32
    %dma_start3A_3 = arith.constant 0 : i32
    %dma_start3A_4 = tpu.memref_slice %arg9[%dma_start3A_1, %dma_start3A_2, %dma_start3A_3] : memref<2x128x128xf32, #tpu.memory_space<vmem>> -> memref<1x128x128xf32, #tpu.memory_space<vmem>>
    %dma_start3A_5 = tpu.memref_squeeze %dma_start3A_4 : memref<1x128x128xf32, #tpu.memory_space<vmem>> -> memref<128x128xf32, #tpu.memory_space<vmem>>
    %dma_start3A_6 = arith.constant 0 : i32
    %dma_start3A_7 = tpu.memref_slice %arg7[%dma_start3A, %dma_start3A_6] : memref<40x128xi32, #tpu.memory_space<vmem>> -> memref<1x128xi32, #tpu.memory_space<vmem>>
    %dma_start3A_8 = tpu.memref_squeeze %dma_start3A_7 : memref<1x128xi32, #tpu.memory_space<vmem>> -> memref<128xi32, #tpu.memory_space<vmem>>
    %dma_start3A_9 = arith.constant 0 : i32
    %dma_start3A_10 = arith.constant 0 : i32
    %dma_start3A_11 = tpu.memref_slice %arg2[%dma_start3A_9, %dma_start3A_10] : memref<10240x128xf32, #tpu.memory_space<hbm>> -> memref<10240x128xf32, #tpu.memory_space<hbm>>
    tpu.enqueue_indirect_dma source(%dma_start3A_11 : memref<10240x128xf32, #tpu.memory_space<hbm>>) target(%dma_start3A_5 : memref<128x128xf32, #tpu.memory_space<vmem>>) offsets(%dma_start3A_8 : memref<128xi32, #tpu.memory_space<vmem>>) semaphore(%arg11 : memref<!tpu.dma_semaphore, #tpu.memory_space<semaphore_mem>>)
    %dma_start3A_12 = arith.constant 1 : i32
    %dma_start3A_13 = arith.constant 1 : i32
    %dma_start3A_14 = arith.constant 0 : i32
    %dma_start3A_15 = arith.constant 0 : i32
    %dma_start3A_16 = tpu.memref_slice %arg9[%dma_start3A_13, %dma_start3A_14, %dma_start3A_15] : memref<2x128x128xf32, #tpu.memory_space<vmem>> -> memref<1x128x128xf32, #tpu.memory_space<vmem>>
    %dma_start3A_17 = tpu.memref_squeeze %dma_start3A_16 : memref<1x128x128xf32, #tpu.memory_space<vmem>> -> memref<128x128xf32, #tpu.memory_space<vmem>>
    %dma_start3A_18 = arith.constant 0 : i32
    %dma_start3A_19 = tpu.memref_slice %arg7[%dma_start3A_12, %dma_start3A_18] : memref<40x128xi32, #tpu.memory_space<vmem>> -> memref<1x128xi32, #tpu.memory_space<vmem>>
    %dma_start3A_20 = tpu.memref_squeeze %dma_start3A_19 : memref<1x128xi32, #tpu.memory_space<vmem>> -> memref<128xi32, #tpu.memory_space<vmem>>
    %dma_start3A_21 = arith.constant 0 : i32
    %dma_start3A_22 = arith.constant 0 : i32
    %dma_start3A_23 = tpu.memref_slice %arg2[%dma_start3A_21, %dma_start3A_22] : memref<10240x128xf32, #tpu.memory_space<hbm>> -> memref<10240x128xf32, #tpu.memory_space<hbm>>
    tpu.enqueue_indirect_dma source(%dma_start3A_23 : memref<10240x128xf32, #tpu.memory_space<hbm>>) target(%dma_start3A_17 : memref<128x128xf32, #tpu.memory_space<vmem>>) offsets(%dma_start3A_20 : memref<128xi32, #tpu.memory_space<vmem>>) semaphore(%arg12 : memref<!tpu.dma_semaphore, #tpu.memory_space<semaphore_mem>>)
    %eq3A = arith.constant 0 : i32
    %eq3A_24 = arith.cmpi eq, %arg0, %eq3A : i32
    %convert_element_type3A = arith.extui %eq3A_24 : i1 to i32
    %cond3A = arith.constant 0 : i32
    %cond3A_25 = arith.cmpi ne, %convert_element_type3A, %cond3A : i32
    scf.if %cond3A_25 {
      %mul3A_72 = arith.constant 640 : i32
      %mul3A_73 = arith.muli %arg1, %mul3A_72 : i32
      %mul3A_74 = arith.constant 640 : i32
      %mul3A_75 = arith.muli %arg1, %mul3A_74 : i32
      "tpu.region"() ({
        %run_scoped3A = tpu.sem_alloc : memref<!tpu.dma_semaphore, #tpu.memory_space<semaphore_mem>>
        %dma_start3A_76 = arith.constant 0 : i32
        %dma_start3A_77 = tpu.memref_slice %arg10[%mul3A_75, %dma_start3A_76] : memref<10240x128xf32, #tpu.memory_space<vmem_shared>> -> memref<640x128xf32, #tpu.memory_space<vmem_shared>>
        %dma_start3A_78 = arith.constant 0 : i32
        %dma_start3A_79 = tpu.memref_slice %arg2[%mul3A_73, %dma_start3A_78] : memref<10240x128xf32, #tpu.memory_space<hbm>> -> memref<640x128xf32, #tpu.memory_space<hbm>>
        tpu.enqueue_dma source(%dma_start3A_79 : memref<640x128xf32, #tpu.memory_space<hbm>>) target(%dma_start3A_77 : memref<640x128xf32, #tpu.memory_space<vmem_shared>>) target_semaphore(%run_scoped3A : memref<!tpu.dma_semaphore, #tpu.memory_space<semaphore_mem>>)
        %dma_wait3A = arith.constant 0 : i32
        %dma_wait3A_80 = tpu.memref_slice %arg10[%mul3A_75, %dma_wait3A] : memref<10240x128xf32, #tpu.memory_space<vmem_shared>> -> memref<640x128xf32, #tpu.memory_space<vmem_shared>>
        %dma_wait3A_81 = arith.constant 0 : i32
        %dma_wait3A_82 = tpu.memref_slice %arg2[%mul3A_73, %dma_wait3A_81] : memref<10240x128xf32, #tpu.memory_space<hbm>> -> memref<640x128xf32, #tpu.memory_space<hbm>>
        tpu.wait_dma2 semaphore(%run_scoped3A : memref<!tpu.dma_semaphore, #tpu.memory_space<semaphore_mem>>) src(%dma_wait3A_82 : memref<640x128xf32, #tpu.memory_space<hbm>>) dst(%dma_wait3A_80 : memref<640x128xf32, #tpu.memory_space<vmem_shared>>)
        tpu.yield
      }) : () -> ()
    } else {
    }
    %ne3A = arith.constant 0 : i32
    %ne3A_26 = arith.cmpi ne, %arg0, %ne3A : i32
    %convert_element_type3A_27 = arith.extui %ne3A_26 : i1 to i32
    %cond3A_28 = arith.constant 0 : i32
    %cond3A_29 = arith.cmpi ne, %convert_element_type3A_27, %cond3A_28 : i32
    scf.if %cond3A_29 {
      %mul3A_72 = arith.constant 640 : i32
      %mul3A_73 = arith.muli %arg1, %mul3A_72 : i32
      %mul3A_74 = arith.constant 640 : i32
      %mul3A_75 = arith.muli %arg1, %mul3A_74 : i32
      "tpu.region"() ({
        %run_scoped3A = tpu.sem_alloc : memref<!tpu.dma_semaphore, #tpu.memory_space<semaphore_mem>>
        %dma_start3A_76 = arith.constant 0 : i32
        %dma_start3A_77 = tpu.memref_slice %arg10[%mul3A_75, %dma_start3A_76] : memref<10240x128xf32, #tpu.memory_space<vmem_shared>> -> memref<640x128xf32, #tpu.memory_space<vmem_shared>>
        %dma_start3A_78 = arith.constant 0 : i32
        %dma_start3A_79 = tpu.memref_slice %arg5[%mul3A_73, %dma_start3A_78] : memref<10240x128xf32, #tpu.memory_space<hbm>> -> memref<640x128xf32, #tpu.memory_space<hbm>>
        tpu.enqueue_dma source(%dma_start3A_79 : memref<640x128xf32, #tpu.memory_space<hbm>>) target(%dma_start3A_77 : memref<640x128xf32, #tpu.memory_space<vmem_shared>>) target_semaphore(%run_scoped3A : memref<!tpu.dma_semaphore, #tpu.memory_space<semaphore_mem>>)
        %dma_wait3A = arith.constant 0 : i32
        %dma_wait3A_80 = tpu.memref_slice %arg10[%mul3A_75, %dma_wait3A] : memref<10240x128xf32, #tpu.memory_space<vmem_shared>> -> memref<640x128xf32, #tpu.memory_space<vmem_shared>>
        %dma_wait3A_81 = arith.constant 0 : i32
        %dma_wait3A_82 = tpu.memref_slice %arg5[%mul3A_73, %dma_wait3A_81] : memref<10240x128xf32, #tpu.memory_space<hbm>> -> memref<640x128xf32, #tpu.memory_space<hbm>>
        tpu.wait_dma2 semaphore(%run_scoped3A : memref<!tpu.dma_semaphore, #tpu.memory_space<semaphore_mem>>) src(%dma_wait3A_82 : memref<640x128xf32, #tpu.memory_space<hbm>>) dst(%dma_wait3A_80 : memref<640x128xf32, #tpu.memory_space<vmem_shared>>)
        tpu.yield
      }) : () -> ()
    } else {
    }
    %barrier3A = arith.constant 0 : index
    tpu.barrier barrier_id(%barrier3A)
    %scan3A = arith.constant 0 : i32
    %scan3A_30 = arith.constant 0 : i32
    %scan3A_31 = arith.constant 20 : i32
    %scan3A_32 = arith.addi %scan3A_30, %scan3A_31 : i32
    %scan3A_33 = arith.constant 1 : i32
    %scan3A_34 = scf.for %scan3A_72 = %scan3A_30 to %scan3A_32 step %scan3A_33 iter_args(%scan3A_73 = %scan3A) -> (i32)  : i32 {
      %mul3A_74 = arith.constant 2 : i32
      %mul3A_75 = arith.muli %scan3A_72, %mul3A_74 : i32
      %add3A_76 = arith.constant 0 : i32
      %add3A_77 = arith.addi %mul3A_75, %add3A_76 : i32
      %dma_wait3A = arith.constant 0 : i32
      %dma_wait3A_78 = arith.constant 0 : i32
      %dma_wait3A_79 = arith.constant 0 : i32
      %dma_wait3A_80 = tpu.memref_slice %arg9[%dma_wait3A, %dma_wait3A_78, %dma_wait3A_79] : memref<2x128x128xf32, #tpu.memory_space<vmem>> -> memref<1x128x128xf32, #tpu.memory_space<vmem>>
      %dma_wait3A_81 = tpu.memref_squeeze %dma_wait3A_80 : memref<1x128x128xf32, #tpu.memory_space<vmem>> -> memref<128x128xf32, #tpu.memory_space<vmem>>
      %dma_wait3A_82 = arith.constant 0 : i32
      %dma_wait3A_83 = tpu.memref_slice %arg7[%add3A_77, %dma_wait3A_82] : memref<40x128xi32, #tpu.memory_space<vmem>> -> memref<1x128xi32, #tpu.memory_space<vmem>>
      %dma_wait3A_84 = tpu.memref_squeeze %dma_wait3A_83 : memref<1x128xi32, #tpu.memory_space<vmem>> -> memref<128xi32, #tpu.memory_space<vmem>>
      %dma_wait3A_85 = arith.constant 0 : i32
      %dma_wait3A_86 = arith.constant 0 : i32
      %dma_wait3A_87 = tpu.memref_slice %arg2[%dma_wait3A_85, %dma_wait3A_86] : memref<10240x128xf32, #tpu.memory_space<hbm>> -> memref<10240x128xf32, #tpu.memory_space<hbm>>
      tpu.wait_indirect_dma semaphore(%arg11 : memref<!tpu.dma_semaphore, #tpu.memory_space<semaphore_mem>>) src(%dma_wait3A_87 : memref<10240x128xf32, #tpu.memory_space<hbm>>) dst(%dma_wait3A_81 : memref<128x128xf32, #tpu.memory_space<vmem>>)
      %run_scoped3A = arith.constant 0 : i32
      "tpu.region"() ({
        %run_scoped3A_116 = tpu.sem_alloc : memref<!tpu.dma_semaphore, #tpu.memory_space<semaphore_mem>>
        %dma_start3A_117 = arith.constant 0 : i32
        %dma_start3A_118 = arith.constant 0 : i32
        %dma_start3A_119 = tpu.memref_slice %arg9[%run_scoped3A, %dma_start3A_117, %dma_start3A_118] : memref<2x128x128xf32, #tpu.memory_space<vmem>> -> memref<1x128x128xf32, #tpu.memory_space<vmem>>
        %dma_start3A_120 = tpu.memref_squeeze %dma_start3A_119 : memref<1x128x128xf32, #tpu.memory_space<vmem>> -> memref<128x128xf32, #tpu.memory_space<vmem>>
        %dma_start3A_121 = arith.constant 0 : i32
        %dma_start3A_122 = tpu.memref_slice %arg8[%add3A_77, %dma_start3A_121] : memref<40x128xi32, #tpu.memory_space<vmem>> -> memref<1x128xi32, #tpu.memory_space<vmem>>
        %dma_start3A_123 = tpu.memref_squeeze %dma_start3A_122 : memref<1x128xi32, #tpu.memory_space<vmem>> -> memref<128xi32, #tpu.memory_space<vmem>>
        %dma_start3A_124 = arith.constant 0 : i32
        %dma_start3A_125 = arith.constant 0 : i32
        %dma_start3A_126 = tpu.memref_slice %arg10[%dma_start3A_124, %dma_start3A_125] : memref<10240x128xf32, #tpu.memory_space<vmem_shared>> -> memref<10240x128xf32, #tpu.memory_space<vmem_shared>>
        tpu.enqueue_indirect_dma source(%dma_start3A_120 : memref<128x128xf32, #tpu.memory_space<vmem>>) target(%dma_start3A_126 : memref<10240x128xf32, #tpu.memory_space<vmem_shared>>) offsets(%dma_start3A_123 : memref<128xi32, #tpu.memory_space<vmem>>) semaphore(%run_scoped3A_116 : memref<!tpu.dma_semaphore, #tpu.memory_space<semaphore_mem>>) {add = true}
        %dma_wait3A_127 = arith.constant 0 : i32
        %dma_wait3A_128 = arith.constant 0 : i32
        %dma_wait3A_129 = tpu.memref_slice %arg9[%run_scoped3A, %dma_wait3A_127, %dma_wait3A_128] : memref<2x128x128xf32, #tpu.memory_space<vmem>> -> memref<1x128x128xf32, #tpu.memory_space<vmem>>
        %dma_wait3A_130 = tpu.memref_squeeze %dma_wait3A_129 : memref<1x128x128xf32, #tpu.memory_space<vmem>> -> memref<128x128xf32, #tpu.memory_space<vmem>>
        %dma_wait3A_131 = arith.constant 0 : i32
        %dma_wait3A_132 = tpu.memref_slice %arg8[%add3A_77, %dma_wait3A_131] : memref<40x128xi32, #tpu.memory_space<vmem>> -> memref<1x128xi32, #tpu.memory_space<vmem>>
        %dma_wait3A_133 = tpu.memref_squeeze %dma_wait3A_132 : memref<1x128xi32, #tpu.memory_space<vmem>> -> memref<128xi32, #tpu.memory_space<vmem>>
        %dma_wait3A_134 = arith.constant 0 : i32
        %dma_wait3A_135 = arith.constant 0 : i32
        %dma_wait3A_136 = tpu.memref_slice %arg10[%dma_wait3A_134, %dma_wait3A_135] : memref<10240x128xf32, #tpu.memory_space<vmem_shared>> -> memref<10240x128xf32, #tpu.memory_space<vmem_shared>>
        tpu.wait_indirect_dma semaphore(%run_scoped3A_116 : memref<!tpu.dma_semaphore, #tpu.memory_space<semaphore_mem>>) src(%dma_wait3A_130 : memref<128x128xf32, #tpu.memory_space<vmem>>) dst(%dma_wait3A_136 : memref<10240x128xf32, #tpu.memory_space<vmem_shared>>)
        tpu.yield
      }) : () -> ()
      %add3A_88 = arith.constant 2 : i32
      %add3A_89 = arith.addi %add3A_77, %add3A_88 : i32
      %lt3A = arith.constant 40 : i32
      %lt3A_90 = arith.cmpi slt, %add3A_89, %lt3A : i32
      %convert_element_type3A_91 = arith.extui %lt3A_90 : i1 to i32
      %cond3A_92 = arith.constant 0 : i32
      %cond3A_93 = arith.cmpi ne, %convert_element_type3A_91, %cond3A_92 : i32
      scf.if %cond3A_93 {
        %add3A_116 = arith.constant 2 : i32
        %add3A_117 = arith.addi %add3A_77, %add3A_116 : i32
        %dma_start3A_118 = arith.constant 0 : i32
        %dma_start3A_119 = arith.constant 0 : i32
        %dma_start3A_120 = arith.constant 0 : i32
        %dma_start3A_121 = tpu.memref_slice %arg9[%dma_start3A_118, %dma_start3A_119, %dma_start3A_120] : memref<2x128x128xf32, #tpu.memory_space<vmem>> -> memref<1x128x128xf32, #tpu.memory_space<vmem>>
        %dma_start3A_122 = tpu.memref_squeeze %dma_start3A_121 : memref<1x128x128xf32, #tpu.memory_space<vmem>> -> memref<128x128xf32, #tpu.memory_space<vmem>>
        %dma_start3A_123 = arith.constant 0 : i32
        %dma_start3A_124 = tpu.memref_slice %arg7[%add3A_117, %dma_start3A_123] : memref<40x128xi32, #tpu.memory_space<vmem>> -> memref<1x128xi32, #tpu.memory_space<vmem>>
        %dma_start3A_125 = tpu.memref_squeeze %dma_start3A_124 : memref<1x128xi32, #tpu.memory_space<vmem>> -> memref<128xi32, #tpu.memory_space<vmem>>
        %dma_start3A_126 = arith.constant 0 : i32
        %dma_start3A_127 = arith.constant 0 : i32
        %dma_start3A_128 = tpu.memref_slice %arg2[%dma_start3A_126, %dma_start3A_127] : memref<10240x128xf32, #tpu.memory_space<hbm>> -> memref<10240x128xf32, #tpu.memory_space<hbm>>
        tpu.enqueue_indirect_dma source(%dma_start3A_128 : memref<10240x128xf32, #tpu.memory_space<hbm>>) target(%dma_start3A_122 : memref<128x128xf32, #tpu.memory_space<vmem>>) offsets(%dma_start3A_125 : memref<128xi32, #tpu.memory_space<vmem>>) semaphore(%arg11 : memref<!tpu.dma_semaphore, #tpu.memory_space<semaphore_mem>>)
      } else {
      }
      %add3A_94 = arith.constant 1 : i32
      %add3A_95 = arith.addi %mul3A_75, %add3A_94 : i32
      %dma_wait3A_96 = arith.constant 1 : i32
      %dma_wait3A_97 = arith.constant 0 : i32
      %dma_wait3A_98 = arith.constant 0 : i32
      %dma_wait3A_99 = tpu.memref_slice %arg9[%dma_wait3A_96, %dma_wait3A_97, %dma_wait3A_98] : memref<2x128x128xf32, #tpu.memory_space<vmem>> -> memref<1x128x128xf32, #tpu.memory_space<vmem>>
      %dma_wait3A_100 = tpu.memref_squeeze %dma_wait3A_99 : memref<1x128x128xf32, #tpu.memory_space<vmem>> -> memref<128x128xf32, #tpu.memory_space<vmem>>
      %dma_wait3A_101 = arith.constant 0 : i32
      %dma_wait3A_102 = tpu.memref_slice %arg7[%add3A_95, %dma_wait3A_101] : memref<40x128xi32, #tpu.memory_space<vmem>> -> memref<1x128xi32, #tpu.memory_space<vmem>>
      %dma_wait3A_103 = tpu.memref_squeeze %dma_wait3A_102 : memref<1x128xi32, #tpu.memory_space<vmem>> -> memref<128xi32, #tpu.memory_space<vmem>>
      %dma_wait3A_104 = arith.constant 0 : i32
      %dma_wait3A_105 = arith.constant 0 : i32
      %dma_wait3A_106 = tpu.memref_slice %arg2[%dma_wait3A_104, %dma_wait3A_105] : memref<10240x128xf32, #tpu.memory_space<hbm>> -> memref<10240x128xf32, #tpu.memory_space<hbm>>
      tpu.wait_indirect_dma semaphore(%arg12 : memref<!tpu.dma_semaphore, #tpu.memory_space<semaphore_mem>>) src(%dma_wait3A_106 : memref<10240x128xf32, #tpu.memory_space<hbm>>) dst(%dma_wait3A_100 : memref<128x128xf32, #tpu.memory_space<vmem>>)
      %run_scoped3A_107 = arith.constant 1 : i32
      "tpu.region"() ({
        %run_scoped3A_116 = tpu.sem_alloc : memref<!tpu.dma_semaphore, #tpu.memory_space<semaphore_mem>>
        %dma_start3A_117 = arith.constant 0 : i32
        %dma_start3A_118 = arith.constant 0 : i32
        %dma_start3A_119 = tpu.memref_slice %arg9[%run_scoped3A_107, %dma_start3A_117, %dma_start3A_118] : memref<2x128x128xf32, #tpu.memory_space<vmem>> -> memref<1x128x128xf32, #tpu.memory_space<vmem>>
        %dma_start3A_120 = tpu.memref_squeeze %dma_start3A_119 : memref<1x128x128xf32, #tpu.memory_space<vmem>> -> memref<128x128xf32, #tpu.memory_space<vmem>>
        %dma_start3A_121 = arith.constant 0 : i32
        %dma_start3A_122 = tpu.memref_slice %arg8[%add3A_95, %dma_start3A_121] : memref<40x128xi32, #tpu.memory_space<vmem>> -> memref<1x128xi32, #tpu.memory_space<vmem>>
        %dma_start3A_123 = tpu.memref_squeeze %dma_start3A_122 : memref<1x128xi32, #tpu.memory_space<vmem>> -> memref<128xi32, #tpu.memory_space<vmem>>
        %dma_start3A_124 = arith.constant 0 : i32
        %dma_start3A_125 = arith.constant 0 : i32
        %dma_start3A_126 = tpu.memref_slice %arg10[%dma_start3A_124, %dma_start3A_125] : memref<10240x128xf32, #tpu.memory_space<vmem_shared>> -> memref<10240x128xf32, #tpu.memory_space<vmem_shared>>
        tpu.enqueue_indirect_dma source(%dma_start3A_120 : memref<128x128xf32, #tpu.memory_space<vmem>>) target(%dma_start3A_126 : memref<10240x128xf32, #tpu.memory_space<vmem_shared>>) offsets(%dma_start3A_123 : memref<128xi32, #tpu.memory_space<vmem>>) semaphore(%run_scoped3A_116 : memref<!tpu.dma_semaphore, #tpu.memory_space<semaphore_mem>>) {add = true}
        %dma_wait3A_127 = arith.constant 0 : i32
        %dma_wait3A_128 = arith.constant 0 : i32
        %dma_wait3A_129 = tpu.memref_slice %arg9[%run_scoped3A_107, %dma_wait3A_127, %dma_wait3A_128] : memref<2x128x128xf32, #tpu.memory_space<vmem>> -> memref<1x128x128xf32, #tpu.memory_space<vmem>>
        %dma_wait3A_130 = tpu.memref_squeeze %dma_wait3A_129 : memref<1x128x128xf32, #tpu.memory_space<vmem>> -> memref<128x128xf32, #tpu.memory_space<vmem>>
        %dma_wait3A_131 = arith.constant 0 : i32
        %dma_wait3A_132 = tpu.memref_slice %arg8[%add3A_95, %dma_wait3A_131] : memref<40x128xi32, #tpu.memory_space<vmem>> -> memref<1x128xi32, #tpu.memory_space<vmem>>
        %dma_wait3A_133 = tpu.memref_squeeze %dma_wait3A_132 : memref<1x128xi32, #tpu.memory_space<vmem>> -> memref<128xi32, #tpu.memory_space<vmem>>
        %dma_wait3A_134 = arith.constant 0 : i32
        %dma_wait3A_135 = arith.constant 0 : i32
        %dma_wait3A_136 = tpu.memref_slice %arg10[%dma_wait3A_134, %dma_wait3A_135] : memref<10240x128xf32, #tpu.memory_space<vmem_shared>> -> memref<10240x128xf32, #tpu.memory_space<vmem_shared>>
        tpu.wait_indirect_dma semaphore(%run_scoped3A_116 : memref<!tpu.dma_semaphore, #tpu.memory_space<semaphore_mem>>) src(%dma_wait3A_130 : memref<128x128xf32, #tpu.memory_space<vmem>>) dst(%dma_wait3A_136 : memref<10240x128xf32, #tpu.memory_space<vmem_shared>>)
        tpu.yield
      }) : () -> ()
      %add3A_108 = arith.constant 2 : i32
      %add3A_109 = arith.addi %add3A_95, %add3A_108 : i32
      %lt3A_110 = arith.constant 40 : i32
      %lt3A_111 = arith.cmpi slt, %add3A_109, %lt3A_110 : i32
      %convert_element_type3A_112 = arith.extui %lt3A_111 : i1 to i32
      %cond3A_113 = arith.constant 0 : i32
      %cond3A_114 = arith.cmpi ne, %convert_element_type3A_112, %cond3A_113 : i32
      scf.if %cond3A_114 {
        %add3A_116 = arith.constant 2 : i32
        %add3A_117 = arith.addi %add3A_95, %add3A_116 : i32
        %dma_start3A_118 = arith.constant 1 : i32
        %dma_start3A_119 = arith.constant 0 : i32
        %dma_start3A_120 = arith.constant 0 : i32
        %dma_start3A_121 = tpu.memref_slice %arg9[%dma_start3A_118, %dma_start3A_119, %dma_start3A_120] : memref<2x128x128xf32, #tpu.memory_space<vmem>> -> memref<1x128x128xf32, #tpu.memory_space<vmem>>
        %dma_start3A_122 = tpu.memref_squeeze %dma_start3A_121 : memref<1x128x128xf32, #tpu.memory_space<vmem>> -> memref<128x128xf32, #tpu.memory_space<vmem>>
        %dma_start3A_123 = arith.constant 0 : i32
        %dma_start3A_124 = tpu.memref_slice %arg7[%add3A_117, %dma_start3A_123] : memref<40x128xi32, #tpu.memory_space<vmem>> -> memref<1x128xi32, #tpu.memory_space<vmem>>
        %dma_start3A_125 = tpu.memref_squeeze %dma_start3A_124 : memref<1x128xi32, #tpu.memory_space<vmem>> -> memref<128xi32, #tpu.memory_space<vmem>>
        %dma_start3A_126 = arith.constant 0 : i32
        %dma_start3A_127 = arith.constant 0 : i32
        %dma_start3A_128 = tpu.memref_slice %arg2[%dma_start3A_126, %dma_start3A_127] : memref<10240x128xf32, #tpu.memory_space<hbm>> -> memref<10240x128xf32, #tpu.memory_space<hbm>>
        tpu.enqueue_indirect_dma source(%dma_start3A_128 : memref<10240x128xf32, #tpu.memory_space<hbm>>) target(%dma_start3A_122 : memref<128x128xf32, #tpu.memory_space<vmem>>) offsets(%dma_start3A_125 : memref<128xi32, #tpu.memory_space<vmem>>) semaphore(%arg12 : memref<!tpu.dma_semaphore, #tpu.memory_space<semaphore_mem>>)
      } else {
      }
      %scan3A_115 = arith.constant 0 : i32
      scf.yield %scan3A_115 : i32
    }
    %scan3A_35 = arith.constant 20 : i32
    "tpu.region"() ({
      %run_scoped3A = tpu.sem_alloc : memref<!tpu.dma_semaphore, #tpu.memory_space<semaphore_mem>>
      %dma_start3A_72 = arith.constant 40 : i32
      %dma_start3A_73 = arith.constant 0 : i32
      %dma_start3A_74 = tpu.memref_slice %arg3[%add3A, %dma_start3A_72, %dma_start3A_73] : memref<32x80x128xi32, #tpu.memory_space<hbm>> -> memref<1x40x128xi32, #tpu.memory_space<hbm>>
      %dma_start3A_75 = tpu.memref_squeeze %dma_start3A_74 : memref<1x40x128xi32, #tpu.memory_space<hbm>> -> memref<40x128xi32, #tpu.memory_space<hbm>>
      %dma_start3A_76 = arith.constant 40 : i32
      %dma_start3A_77 = arith.constant 0 : i32
      %dma_start3A_78 = tpu.memref_slice %arg3[%add3A, %dma_start3A_76, %dma_start3A_77] : memref<32x80x128xi32, #tpu.memory_space<hbm>> -> memref<1x40x128xi32, #tpu.memory_space<hbm>>
      %dma_start3A_79 = tpu.memref_squeeze %dma_start3A_78 : memref<1x40x128xi32, #tpu.memory_space<hbm>> -> memref<40x128xi32, #tpu.memory_space<hbm>>
      tpu.enqueue_dma source(%dma_start3A_79 : memref<40x128xi32, #tpu.memory_space<hbm>>) target(%arg7 : memref<40x128xi32, #tpu.memory_space<vmem>>) target_semaphore(%run_scoped3A : memref<!tpu.dma_semaphore, #tpu.memory_space<semaphore_mem>>)
      %dma_wait3A = arith.constant 40 : i32
      %dma_wait3A_80 = arith.constant 0 : i32
      %dma_wait3A_81 = tpu.memref_slice %arg3[%add3A, %dma_wait3A, %dma_wait3A_80] : memref<32x80x128xi32, #tpu.memory_space<hbm>> -> memref<1x40x128xi32, #tpu.memory_space<hbm>>
      %dma_wait3A_82 = tpu.memref_squeeze %dma_wait3A_81 : memref<1x40x128xi32, #tpu.memory_space<hbm>> -> memref<40x128xi32, #tpu.memory_space<hbm>>
      %dma_wait3A_83 = arith.constant 40 : i32
      %dma_wait3A_84 = arith.constant 0 : i32
      %dma_wait3A_85 = tpu.memref_slice %arg3[%add3A, %dma_wait3A_83, %dma_wait3A_84] : memref<32x80x128xi32, #tpu.memory_space<hbm>> -> memref<1x40x128xi32, #tpu.memory_space<hbm>>
      %dma_wait3A_86 = tpu.memref_squeeze %dma_wait3A_85 : memref<1x40x128xi32, #tpu.memory_space<hbm>> -> memref<40x128xi32, #tpu.memory_space<hbm>>
      tpu.wait_dma2 semaphore(%run_scoped3A : memref<!tpu.dma_semaphore, #tpu.memory_space<semaphore_mem>>) src(%dma_wait3A_86 : memref<40x128xi32, #tpu.memory_space<hbm>>) dst(%arg7 : memref<40x128xi32, #tpu.memory_space<vmem>>)
      tpu.yield
    }) : () -> ()
    "tpu.region"() ({
      %run_scoped3A = tpu.sem_alloc : memref<!tpu.dma_semaphore, #tpu.memory_space<semaphore_mem>>
      %dma_start3A_72 = arith.constant 40 : i32
      %dma_start3A_73 = arith.constant 0 : i32
      %dma_start3A_74 = tpu.memref_slice %arg4[%add3A, %dma_start3A_72, %dma_start3A_73] : memref<32x80x128xi32, #tpu.memory_space<hbm>> -> memref<1x40x128xi32, #tpu.memory_space<hbm>>
      %dma_start3A_75 = tpu.memref_squeeze %dma_start3A_74 : memref<1x40x128xi32, #tpu.memory_space<hbm>> -> memref<40x128xi32, #tpu.memory_space<hbm>>
      %dma_start3A_76 = arith.constant 40 : i32
      %dma_start3A_77 = arith.constant 0 : i32
      %dma_start3A_78 = tpu.memref_slice %arg4[%add3A, %dma_start3A_76, %dma_start3A_77] : memref<32x80x128xi32, #tpu.memory_space<hbm>> -> memref<1x40x128xi32, #tpu.memory_space<hbm>>
      %dma_start3A_79 = tpu.memref_squeeze %dma_start3A_78 : memref<1x40x128xi32, #tpu.memory_space<hbm>> -> memref<40x128xi32, #tpu.memory_space<hbm>>
      tpu.enqueue_dma source(%dma_start3A_79 : memref<40x128xi32, #tpu.memory_space<hbm>>) target(%arg8 : memref<40x128xi32, #tpu.memory_space<vmem>>) target_semaphore(%run_scoped3A : memref<!tpu.dma_semaphore, #tpu.memory_space<semaphore_mem>>)
      %dma_wait3A = arith.constant 40 : i32
      %dma_wait3A_80 = arith.constant 0 : i32
      %dma_wait3A_81 = tpu.memref_slice %arg4[%add3A, %dma_wait3A, %dma_wait3A_80] : memref<32x80x128xi32, #tpu.memory_space<hbm>> -> memref<1x40x128xi32, #tpu.memory_space<hbm>>
      %dma_wait3A_82 = tpu.memref_squeeze %dma_wait3A_81 : memref<1x40x128xi32, #tpu.memory_space<hbm>> -> memref<40x128xi32, #tpu.memory_space<hbm>>
      %dma_wait3A_83 = arith.constant 40 : i32
      %dma_wait3A_84 = arith.constant 0 : i32
      %dma_wait3A_85 = tpu.memref_slice %arg4[%add3A, %dma_wait3A_83, %dma_wait3A_84] : memref<32x80x128xi32, #tpu.memory_space<hbm>> -> memref<1x40x128xi32, #tpu.memory_space<hbm>>
      %dma_wait3A_86 = tpu.memref_squeeze %dma_wait3A_85 : memref<1x40x128xi32, #tpu.memory_space<hbm>> -> memref<40x128xi32, #tpu.memory_space<hbm>>
      tpu.wait_dma2 semaphore(%run_scoped3A : memref<!tpu.dma_semaphore, #tpu.memory_space<semaphore_mem>>) src(%dma_wait3A_86 : memref<40x128xi32, #tpu.memory_space<hbm>>) dst(%arg8 : memref<40x128xi32, #tpu.memory_space<vmem>>)
      tpu.yield
    }) : () -> ()
    %dma_start3A_36 = arith.constant 0 : i32
    %dma_start3A_37 = arith.constant 0 : i32
    %dma_start3A_38 = arith.constant 0 : i32
    %dma_start3A_39 = arith.constant 0 : i32
    %dma_start3A_40 = tpu.memref_slice %arg9[%dma_start3A_37, %dma_start3A_38, %dma_start3A_39] : memref<2x128x128xf32, #tpu.memory_space<vmem>> -> memref<1x128x128xf32, #tpu.memory_space<vmem>>
    %dma_start3A_41 = tpu.memref_squeeze %dma_start3A_40 : memref<1x128x128xf32, #tpu.memory_space<vmem>> -> memref<128x128xf32, #tpu.memory_space<vmem>>
    %dma_start3A_42 = arith.constant 0 : i32
    %dma_start3A_43 = tpu.memref_slice %arg7[%dma_start3A_36, %dma_start3A_42] : memref<40x128xi32, #tpu.memory_space<vmem>> -> memref<1x128xi32, #tpu.memory_space<vmem>>
    %dma_start3A_44 = tpu.memref_squeeze %dma_start3A_43 : memref<1x128xi32, #tpu.memory_space<vmem>> -> memref<128xi32, #tpu.memory_space<vmem>>
    %dma_start3A_45 = arith.constant 0 : i32
    %dma_start3A_46 = arith.constant 0 : i32
    %dma_start3A_47 = tpu.memref_slice %arg2[%dma_start3A_45, %dma_start3A_46] : memref<10240x128xf32, #tpu.memory_space<hbm>> -> memref<10240x128xf32, #tpu.memory_space<hbm>>
    tpu.enqueue_indirect_dma source(%dma_start3A_47 : memref<10240x128xf32, #tpu.memory_space<hbm>>) target(%dma_start3A_41 : memref<128x128xf32, #tpu.memory_space<vmem>>) offsets(%dma_start3A_44 : memref<128xi32, #tpu.memory_space<vmem>>) semaphore(%arg11 : memref<!tpu.dma_semaphore, #tpu.memory_space<semaphore_mem>>)
    %dma_start3A_48 = arith.constant 1 : i32
    %dma_start3A_49 = arith.constant 1 : i32
    %dma_start3A_50 = arith.constant 0 : i32
    %dma_start3A_51 = arith.constant 0 : i32
    %dma_start3A_52 = tpu.memref_slice %arg9[%dma_start3A_49, %dma_start3A_50, %dma_start3A_51] : memref<2x128x128xf32, #tpu.memory_space<vmem>> -> memref<1x128x128xf32, #tpu.memory_space<vmem>>
    %dma_start3A_53 = tpu.memref_squeeze %dma_start3A_52 : memref<1x128x128xf32, #tpu.memory_space<vmem>> -> memref<128x128xf32, #tpu.memory_space<vmem>>
    %dma_start3A_54 = arith.constant 0 : i32
    %dma_start3A_55 = tpu.memref_slice %arg7[%dma_start3A_48, %dma_start3A_54] : memref<40x128xi32, #tpu.memory_space<vmem>> -> memref<1x128xi32, #tpu.memory_space<vmem>>
    %dma_start3A_56 = tpu.memref_squeeze %dma_start3A_55 : memref<1x128xi32, #tpu.memory_space<vmem>> -> memref<128xi32, #tpu.memory_space<vmem>>
    %dma_start3A_57 = arith.constant 0 : i32
    %dma_start3A_58 = arith.constant 0 : i32
    %dma_start3A_59 = tpu.memref_slice %arg2[%dma_start3A_57, %dma_start3A_58] : memref<10240x128xf32, #tpu.memory_space<hbm>> -> memref<10240x128xf32, #tpu.memory_space<hbm>>
    tpu.enqueue_indirect_dma source(%dma_start3A_59 : memref<10240x128xf32, #tpu.memory_space<hbm>>) target(%dma_start3A_53 : memref<128x128xf32, #tpu.memory_space<vmem>>) offsets(%dma_start3A_56 : memref<128xi32, #tpu.memory_space<vmem>>) semaphore(%arg12 : memref<!tpu.dma_semaphore, #tpu.memory_space<semaphore_mem>>)
    %scan3A_60 = arith.constant 0 : i32
    %scan3A_61 = arith.constant 0 : i32
    %scan3A_62 = arith.constant 20 : i32
    %scan3A_63 = arith.addi %scan3A_61, %scan3A_62 : i32
    %scan3A_64 = arith.constant 1 : i32
    %scan3A_65 = scf.for %scan3A_72 = %scan3A_61 to %scan3A_63 step %scan3A_64 iter_args(%scan3A_73 = %scan3A_60) -> (i32)  : i32 {
      %mul3A_74 = arith.constant 2 : i32
      %mul3A_75 = arith.muli %scan3A_72, %mul3A_74 : i32
      %add3A_76 = arith.constant 0 : i32
      %add3A_77 = arith.addi %mul3A_75, %add3A_76 : i32
      %dma_wait3A = arith.constant 0 : i32
      %dma_wait3A_78 = arith.constant 0 : i32
      %dma_wait3A_79 = arith.constant 0 : i32
      %dma_wait3A_80 = tpu.memref_slice %arg9[%dma_wait3A, %dma_wait3A_78, %dma_wait3A_79] : memref<2x128x128xf32, #tpu.memory_space<vmem>> -> memref<1x128x128xf32, #tpu.memory_space<vmem>>
      %dma_wait3A_81 = tpu.memref_squeeze %dma_wait3A_80 : memref<1x128x128xf32, #tpu.memory_space<vmem>> -> memref<128x128xf32, #tpu.memory_space<vmem>>
      %dma_wait3A_82 = arith.constant 0 : i32
      %dma_wait3A_83 = tpu.memref_slice %arg7[%add3A_77, %dma_wait3A_82] : memref<40x128xi32, #tpu.memory_space<vmem>> -> memref<1x128xi32, #tpu.memory_space<vmem>>
      %dma_wait3A_84 = tpu.memref_squeeze %dma_wait3A_83 : memref<1x128xi32, #tpu.memory_space<vmem>> -> memref<128xi32, #tpu.memory_space<vmem>>
      %dma_wait3A_85 = arith.constant 0 : i32
      %dma_wait3A_86 = arith.constant 0 : i32
      %dma_wait3A_87 = tpu.memref_slice %arg2[%dma_wait3A_85, %dma_wait3A_86] : memref<10240x128xf32, #tpu.memory_space<hbm>> -> memref<10240x128xf32, #tpu.memory_space<hbm>>
      tpu.wait_indirect_dma semaphore(%arg11 : memref<!tpu.dma_semaphore, #tpu.memory_space<semaphore_mem>>) src(%dma_wait3A_87 : memref<10240x128xf32, #tpu.memory_space<hbm>>) dst(%dma_wait3A_81 : memref<128x128xf32, #tpu.memory_space<vmem>>)
      %run_scoped3A = arith.constant 0 : i32
      "tpu.region"() ({
        %run_scoped3A_116 = tpu.sem_alloc : memref<!tpu.dma_semaphore, #tpu.memory_space<semaphore_mem>>
        %dma_start3A_117 = arith.constant 0 : i32
        %dma_start3A_118 = arith.constant 0 : i32
        %dma_start3A_119 = tpu.memref_slice %arg9[%run_scoped3A, %dma_start3A_117, %dma_start3A_118] : memref<2x128x128xf32, #tpu.memory_space<vmem>> -> memref<1x128x128xf32, #tpu.memory_space<vmem>>
        %dma_start3A_120 = tpu.memref_squeeze %dma_start3A_119 : memref<1x128x128xf32, #tpu.memory_space<vmem>> -> memref<128x128xf32, #tpu.memory_space<vmem>>
        %dma_start3A_121 = arith.constant 0 : i32
        %dma_start3A_122 = tpu.memref_slice %arg8[%add3A_77, %dma_start3A_121] : memref<40x128xi32, #tpu.memory_space<vmem>> -> memref<1x128xi32, #tpu.memory_space<vmem>>
        %dma_start3A_123 = tpu.memref_squeeze %dma_start3A_122 : memref<1x128xi32, #tpu.memory_space<vmem>> -> memref<128xi32, #tpu.memory_space<vmem>>
        %dma_start3A_124 = arith.constant 0 : i32
        %dma_start3A_125 = arith.constant 0 : i32
        %dma_start3A_126 = tpu.memref_slice %arg10[%dma_start3A_124, %dma_start3A_125] : memref<10240x128xf32, #tpu.memory_space<vmem_shared>> -> memref<10240x128xf32, #tpu.memory_space<vmem_shared>>
        tpu.enqueue_indirect_dma source(%dma_start3A_120 : memref<128x128xf32, #tpu.memory_space<vmem>>) target(%dma_start3A_126 : memref<10240x128xf32, #tpu.memory_space<vmem_shared>>) offsets(%dma_start3A_123 : memref<128xi32, #tpu.memory_space<vmem>>) semaphore(%run_scoped3A_116 : memref<!tpu.dma_semaphore, #tpu.memory_space<semaphore_mem>>) {add = true}
        %dma_wait3A_127 = arith.constant 0 : i32
        %dma_wait3A_128 = arith.constant 0 : i32
        %dma_wait3A_129 = tpu.memref_slice %arg9[%run_scoped3A, %dma_wait3A_127, %dma_wait3A_128] : memref<2x128x128xf32, #tpu.memory_space<vmem>> -> memref<1x128x128xf32, #tpu.memory_space<vmem>>
        %dma_wait3A_130 = tpu.memref_squeeze %dma_wait3A_129 : memref<1x128x128xf32, #tpu.memory_space<vmem>> -> memref<128x128xf32, #tpu.memory_space<vmem>>
        %dma_wait3A_131 = arith.constant 0 : i32
        %dma_wait3A_132 = tpu.memref_slice %arg8[%add3A_77, %dma_wait3A_131] : memref<40x128xi32, #tpu.memory_space<vmem>> -> memref<1x128xi32, #tpu.memory_space<vmem>>
        %dma_wait3A_133 = tpu.memref_squeeze %dma_wait3A_132 : memref<1x128xi32, #tpu.memory_space<vmem>> -> memref<128xi32, #tpu.memory_space<vmem>>
        %dma_wait3A_134 = arith.constant 0 : i32
        %dma_wait3A_135 = arith.constant 0 : i32
        %dma_wait3A_136 = tpu.memref_slice %arg10[%dma_wait3A_134, %dma_wait3A_135] : memref<10240x128xf32, #tpu.memory_space<vmem_shared>> -> memref<10240x128xf32, #tpu.memory_space<vmem_shared>>
        tpu.wait_indirect_dma semaphore(%run_scoped3A_116 : memref<!tpu.dma_semaphore, #tpu.memory_space<semaphore_mem>>) src(%dma_wait3A_130 : memref<128x128xf32, #tpu.memory_space<vmem>>) dst(%dma_wait3A_136 : memref<10240x128xf32, #tpu.memory_space<vmem_shared>>)
        tpu.yield
      }) : () -> ()
      %add3A_88 = arith.constant 2 : i32
      %add3A_89 = arith.addi %add3A_77, %add3A_88 : i32
      %lt3A = arith.constant 40 : i32
      %lt3A_90 = arith.cmpi slt, %add3A_89, %lt3A : i32
      %convert_element_type3A_91 = arith.extui %lt3A_90 : i1 to i32
      %cond3A_92 = arith.constant 0 : i32
      %cond3A_93 = arith.cmpi ne, %convert_element_type3A_91, %cond3A_92 : i32
      scf.if %cond3A_93 {
        %add3A_116 = arith.constant 2 : i32
        %add3A_117 = arith.addi %add3A_77, %add3A_116 : i32
        %dma_start3A_118 = arith.constant 0 : i32
        %dma_start3A_119 = arith.constant 0 : i32
        %dma_start3A_120 = arith.constant 0 : i32
        %dma_start3A_121 = tpu.memref_slice %arg9[%dma_start3A_118, %dma_start3A_119, %dma_start3A_120] : memref<2x128x128xf32, #tpu.memory_space<vmem>> -> memref<1x128x128xf32, #tpu.memory_space<vmem>>
        %dma_start3A_122 = tpu.memref_squeeze %dma_start3A_121 : memref<1x128x128xf32, #tpu.memory_space<vmem>> -> memref<128x128xf32, #tpu.memory_space<vmem>>
        %dma_start3A_123 = arith.constant 0 : i32
        %dma_start3A_124 = tpu.memref_slice %arg7[%add3A_117, %dma_start3A_123] : memref<40x128xi32, #tpu.memory_space<vmem>> -> memref<1x128xi32, #tpu.memory_space<vmem>>
        %dma_start3A_125 = tpu.memref_squeeze %dma_start3A_124 : memref<1x128xi32, #tpu.memory_space<vmem>> -> memref<128xi32, #tpu.memory_space<vmem>>
        %dma_start3A_126 = arith.constant 0 : i32
        %dma_start3A_127 = arith.constant 0 : i32
        %dma_start3A_128 = tpu.memref_slice %arg2[%dma_start3A_126, %dma_start3A_127] : memref<10240x128xf32, #tpu.memory_space<hbm>> -> memref<10240x128xf32, #tpu.memory_space<hbm>>
        tpu.enqueue_indirect_dma source(%dma_start3A_128 : memref<10240x128xf32, #tpu.memory_space<hbm>>) target(%dma_start3A_122 : memref<128x128xf32, #tpu.memory_space<vmem>>) offsets(%dma_start3A_125 : memref<128xi32, #tpu.memory_space<vmem>>) semaphore(%arg11 : memref<!tpu.dma_semaphore, #tpu.memory_space<semaphore_mem>>)
      } else {
      }
      %add3A_94 = arith.constant 1 : i32
      %add3A_95 = arith.addi %mul3A_75, %add3A_94 : i32
      %dma_wait3A_96 = arith.constant 1 : i32
      %dma_wait3A_97 = arith.constant 0 : i32
      %dma_wait3A_98 = arith.constant 0 : i32
      %dma_wait3A_99 = tpu.memref_slice %arg9[%dma_wait3A_96, %dma_wait3A_97, %dma_wait3A_98] : memref<2x128x128xf32, #tpu.memory_space<vmem>> -> memref<1x128x128xf32, #tpu.memory_space<vmem>>
      %dma_wait3A_100 = tpu.memref_squeeze %dma_wait3A_99 : memref<1x128x128xf32, #tpu.memory_space<vmem>> -> memref<128x128xf32, #tpu.memory_space<vmem>>
      %dma_wait3A_101 = arith.constant 0 : i32
      %dma_wait3A_102 = tpu.memref_slice %arg7[%add3A_95, %dma_wait3A_101] : memref<40x128xi32, #tpu.memory_space<vmem>> -> memref<1x128xi32, #tpu.memory_space<vmem>>
      %dma_wait3A_103 = tpu.memref_squeeze %dma_wait3A_102 : memref<1x128xi32, #tpu.memory_space<vmem>> -> memref<128xi32, #tpu.memory_space<vmem>>
      %dma_wait3A_104 = arith.constant 0 : i32
      %dma_wait3A_105 = arith.constant 0 : i32
      %dma_wait3A_106 = tpu.memref_slice %arg2[%dma_wait3A_104, %dma_wait3A_105] : memref<10240x128xf32, #tpu.memory_space<hbm>> -> memref<10240x128xf32, #tpu.memory_space<hbm>>
      tpu.wait_indirect_dma semaphore(%arg12 : memref<!tpu.dma_semaphore, #tpu.memory_space<semaphore_mem>>) src(%dma_wait3A_106 : memref<10240x128xf32, #tpu.memory_space<hbm>>) dst(%dma_wait3A_100 : memref<128x128xf32, #tpu.memory_space<vmem>>)
      %run_scoped3A_107 = arith.constant 1 : i32
      "tpu.region"() ({
        %run_scoped3A_116 = tpu.sem_alloc : memref<!tpu.dma_semaphore, #tpu.memory_space<semaphore_mem>>
        %dma_start3A_117 = arith.constant 0 : i32
        %dma_start3A_118 = arith.constant 0 : i32
        %dma_start3A_119 = tpu.memref_slice %arg9[%run_scoped3A_107, %dma_start3A_117, %dma_start3A_118] : memref<2x128x128xf32, #tpu.memory_space<vmem>> -> memref<1x128x128xf32, #tpu.memory_space<vmem>>
        %dma_start3A_120 = tpu.memref_squeeze %dma_start3A_119 : memref<1x128x128xf32, #tpu.memory_space<vmem>> -> memref<128x128xf32, #tpu.memory_space<vmem>>
        %dma_start3A_121 = arith.constant 0 : i32
        %dma_start3A_122 = tpu.memref_slice %arg8[%add3A_95, %dma_start3A_121] : memref<40x128xi32, #tpu.memory_space<vmem>> -> memref<1x128xi32, #tpu.memory_space<vmem>>
        %dma_start3A_123 = tpu.memref_squeeze %dma_start3A_122 : memref<1x128xi32, #tpu.memory_space<vmem>> -> memref<128xi32, #tpu.memory_space<vmem>>
        %dma_start3A_124 = arith.constant 0 : i32
        %dma_start3A_125 = arith.constant 0 : i32
        %dma_start3A_126 = tpu.memref_slice %arg10[%dma_start3A_124, %dma_start3A_125] : memref<10240x128xf32, #tpu.memory_space<vmem_shared>> -> memref<10240x128xf32, #tpu.memory_space<vmem_shared>>
        tpu.enqueue_indirect_dma source(%dma_start3A_120 : memref<128x128xf32, #tpu.memory_space<vmem>>) target(%dma_start3A_126 : memref<10240x128xf32, #tpu.memory_space<vmem_shared>>) offsets(%dma_start3A_123 : memref<128xi32, #tpu.memory_space<vmem>>) semaphore(%run_scoped3A_116 : memref<!tpu.dma_semaphore, #tpu.memory_space<semaphore_mem>>) {add = true}
        %dma_wait3A_127 = arith.constant 0 : i32
        %dma_wait3A_128 = arith.constant 0 : i32
        %dma_wait3A_129 = tpu.memref_slice %arg9[%run_scoped3A_107, %dma_wait3A_127, %dma_wait3A_128] : memref<2x128x128xf32, #tpu.memory_space<vmem>> -> memref<1x128x128xf32, #tpu.memory_space<vmem>>
        %dma_wait3A_130 = tpu.memref_squeeze %dma_wait3A_129 : memref<1x128x128xf32, #tpu.memory_space<vmem>> -> memref<128x128xf32, #tpu.memory_space<vmem>>
        %dma_wait3A_131 = arith.constant 0 : i32
        %dma_wait3A_132 = tpu.memref_slice %arg8[%add3A_95, %dma_wait3A_131] : memref<40x128xi32, #tpu.memory_space<vmem>> -> memref<1x128xi32, #tpu.memory_space<vmem>>
        %dma_wait3A_133 = tpu.memref_squeeze %dma_wait3A_132 : memref<1x128xi32, #tpu.memory_space<vmem>> -> memref<128xi32, #tpu.memory_space<vmem>>
        %dma_wait3A_134 = arith.constant 0 : i32
        %dma_wait3A_135 = arith.constant 0 : i32
        %dma_wait3A_136 = tpu.memref_slice %arg10[%dma_wait3A_134, %dma_wait3A_135] : memref<10240x128xf32, #tpu.memory_space<vmem_shared>> -> memref<10240x128xf32, #tpu.memory_space<vmem_shared>>
        tpu.wait_indirect_dma semaphore(%run_scoped3A_116 : memref<!tpu.dma_semaphore, #tpu.memory_space<semaphore_mem>>) src(%dma_wait3A_130 : memref<128x128xf32, #tpu.memory_space<vmem>>) dst(%dma_wait3A_136 : memref<10240x128xf32, #tpu.memory_space<vmem_shared>>)
        tpu.yield
      }) : () -> ()
      %add3A_108 = arith.constant 2 : i32
      %add3A_109 = arith.addi %add3A_95, %add3A_108 : i32
      %lt3A_110 = arith.constant 40 : i32
      %lt3A_111 = arith.cmpi slt, %add3A_109, %lt3A_110 : i32
      %convert_element_type3A_112 = arith.extui %lt3A_111 : i1 to i32
      %cond3A_113 = arith.constant 0 : i32
      %cond3A_114 = arith.cmpi ne, %convert_element_type3A_112, %cond3A_113 : i32
      scf.if %cond3A_114 {
        %add3A_116 = arith.constant 2 : i32
        %add3A_117 = arith.addi %add3A_95, %add3A_116 : i32
        %dma_start3A_118 = arith.constant 1 : i32
        %dma_start3A_119 = arith.constant 0 : i32
        %dma_start3A_120 = arith.constant 0 : i32
        %dma_start3A_121 = tpu.memref_slice %arg9[%dma_start3A_118, %dma_start3A_119, %dma_start3A_120] : memref<2x128x128xf32, #tpu.memory_space<vmem>> -> memref<1x128x128xf32, #tpu.memory_space<vmem>>
        %dma_start3A_122 = tpu.memref_squeeze %dma_start3A_121 : memref<1x128x128xf32, #tpu.memory_space<vmem>> -> memref<128x128xf32, #tpu.memory_space<vmem>>
        %dma_start3A_123 = arith.constant 0 : i32
        %dma_start3A_124 = tpu.memref_slice %arg7[%add3A_117, %dma_start3A_123] : memref<40x128xi32, #tpu.memory_space<vmem>> -> memref<1x128xi32, #tpu.memory_space<vmem>>
        %dma_start3A_125 = tpu.memref_squeeze %dma_start3A_124 : memref<1x128xi32, #tpu.memory_space<vmem>> -> memref<128xi32, #tpu.memory_space<vmem>>
        %dma_start3A_126 = arith.constant 0 : i32
        %dma_start3A_127 = arith.constant 0 : i32
        %dma_start3A_128 = tpu.memref_slice %arg2[%dma_start3A_126, %dma_start3A_127] : memref<10240x128xf32, #tpu.memory_space<hbm>> -> memref<10240x128xf32, #tpu.memory_space<hbm>>
        tpu.enqueue_indirect_dma source(%dma_start3A_128 : memref<10240x128xf32, #tpu.memory_space<hbm>>) target(%dma_start3A_122 : memref<128x128xf32, #tpu.memory_space<vmem>>) offsets(%dma_start3A_125 : memref<128xi32, #tpu.memory_space<vmem>>) semaphore(%arg12 : memref<!tpu.dma_semaphore, #tpu.memory_space<semaphore_mem>>)
      } else {
      }
      %scan3A_115 = arith.constant 0 : i32
      scf.yield %scan3A_115 : i32
    }
    %scan3A_66 = arith.constant 20 : i32
    %barrier3A_67 = arith.constant 0 : index
    tpu.barrier barrier_id(%barrier3A_67)
    %mul3A_68 = arith.constant 640 : i32
    %mul3A_69 = arith.muli %arg1, %mul3A_68 : i32
    %mul3A_70 = arith.constant 640 : i32
    %mul3A_71 = arith.muli %arg1, %mul3A_70 : i32
    "tpu.region"() ({
      %run_scoped3A = tpu.sem_alloc : memref<!tpu.dma_semaphore, #tpu.memory_space<semaphore_mem>>
      %dma_start3A_72 = arith.constant 0 : i32
      %dma_start3A_73 = tpu.memref_slice %arg6[%arg0, %mul3A_71, %dma_start3A_72] : memref<2x10240x128xf32, #tpu.memory_space<hbm>> -> memref<1x640x128xf32, #tpu.memory_space<hbm>>
      %dma_start3A_74 = tpu.memref_squeeze %dma_start3A_73 : memref<1x640x128xf32, #tpu.memory_space<hbm>> -> memref<640x128xf32, #tpu.memory_space<hbm>>
      %dma_start3A_75 = arith.constant 0 : i32
      %dma_start3A_76 = tpu.memref_slice %arg10[%mul3A_69, %dma_start3A_75] : memref<10240x128xf32, #tpu.memory_space<vmem_shared>> -> memref<640x128xf32, #tpu.memory_space<vmem_shared>>
      tpu.enqueue_dma source(%dma_start3A_76 : memref<640x128xf32, #tpu.memory_space<vmem_shared>>) target(%dma_start3A_74 : memref<640x128xf32, #tpu.memory_space<hbm>>) target_semaphore(%run_scoped3A : memref<!tpu.dma_semaphore, #tpu.memory_space<semaphore_mem>>)
      %dma_wait3A = arith.constant 0 : i32
      %dma_wait3A_77 = tpu.memref_slice %arg6[%arg0, %mul3A_71, %dma_wait3A] : memref<2x10240x128xf32, #tpu.memory_space<hbm>> -> memref<1x640x128xf32, #tpu.memory_space<hbm>>
      %dma_wait3A_78 = tpu.memref_squeeze %dma_wait3A_77 : memref<1x640x128xf32, #tpu.memory_space<hbm>> -> memref<640x128xf32, #tpu.memory_space<hbm>>
      %dma_wait3A_79 = arith.constant 0 : i32
      %dma_wait3A_80 = tpu.memref_slice %arg10[%mul3A_69, %dma_wait3A_79] : memref<10240x128xf32, #tpu.memory_space<vmem_shared>> -> memref<640x128xf32, #tpu.memory_space<vmem_shared>>
      tpu.wait_dma2 semaphore(%run_scoped3A : memref<!tpu.dma_semaphore, #tpu.memory_space<semaphore_mem>>) src(%dma_wait3A_80 : memref<640x128xf32, #tpu.memory_space<vmem_shared>>) dst(%dma_wait3A_78 : memref<640x128xf32, #tpu.memory_space<hbm>>)
      tpu.yield
    }) : () -> ()
    return
  }
}

#map = affine_map<(d0, d1) -> (0, 0, 0)>
#map1 = affine_map<(d0, d1) -> (0)>
module attributes {stable_mosaic.version = 14 : i64} {
  func.func @_count_kernel(%arg0: i32, %arg1: i32, %arg2: memref<32x80x128xi32, #tpu.memory_space<hbm>>, %arg3: memref<327680xf32, #tpu.memory_space<hbm>>, %arg4: memref<80x128xi32, #tpu.memory_space<vmem>>, %arg5: memref<10240xf32, #tpu.memory_space<vmem>>) attributes {dimension_semantics = [#tpu.dimension_semantics<core_parallel>, #tpu.dimension_semantics<subcore_parallel>], iteration_bounds = array<i64: 2, 16>, scalar_prefetch = 0 : i64, scratch_operands = 2 : i64, tpu.core_type = #tpu.core_type<sc_vector_subcore>, window_params = [{transform_indices = #map}, {transform_indices = #map1}]} {
    %mul3A = arith.constant 2 : i32
    %mul3A_0 = arith.muli %arg1, %mul3A : i32
    %add3A = arith.addi %mul3A_0, %arg0 : i32
    "tpu.region"() ({
      %run_scoped3A = tpu.sem_alloc : memref<!tpu.dma_semaphore, #tpu.memory_space<semaphore_mem>>
      %dma_start3A = arith.constant 0 : i32
      %dma_start3A_19 = arith.constant 0 : i32
      %dma_start3A_20 = tpu.memref_slice %arg2[%add3A, %dma_start3A, %dma_start3A_19] : memref<32x80x128xi32, #tpu.memory_space<hbm>> -> memref<1x80x128xi32, #tpu.memory_space<hbm>>
      %dma_start3A_21 = tpu.memref_squeeze %dma_start3A_20 : memref<1x80x128xi32, #tpu.memory_space<hbm>> -> memref<80x128xi32, #tpu.memory_space<hbm>>
      %dma_start3A_22 = arith.constant 0 : i32
      %dma_start3A_23 = arith.constant 0 : i32
      %dma_start3A_24 = tpu.memref_slice %arg2[%add3A, %dma_start3A_22, %dma_start3A_23] : memref<32x80x128xi32, #tpu.memory_space<hbm>> -> memref<1x80x128xi32, #tpu.memory_space<hbm>>
      %dma_start3A_25 = tpu.memref_squeeze %dma_start3A_24 : memref<1x80x128xi32, #tpu.memory_space<hbm>> -> memref<80x128xi32, #tpu.memory_space<hbm>>
      tpu.enqueue_dma source(%dma_start3A_25 : memref<80x128xi32, #tpu.memory_space<hbm>>) target(%arg4 : memref<80x128xi32, #tpu.memory_space<vmem>>) target_semaphore(%run_scoped3A : memref<!tpu.dma_semaphore, #tpu.memory_space<semaphore_mem>>)
      %dma_wait3A = arith.constant 0 : i32
      %dma_wait3A_26 = arith.constant 0 : i32
      %dma_wait3A_27 = tpu.memref_slice %arg2[%add3A, %dma_wait3A, %dma_wait3A_26] : memref<32x80x128xi32, #tpu.memory_space<hbm>> -> memref<1x80x128xi32, #tpu.memory_space<hbm>>
      %dma_wait3A_28 = tpu.memref_squeeze %dma_wait3A_27 : memref<1x80x128xi32, #tpu.memory_space<hbm>> -> memref<80x128xi32, #tpu.memory_space<hbm>>
      %dma_wait3A_29 = arith.constant 0 : i32
      %dma_wait3A_30 = arith.constant 0 : i32
      %dma_wait3A_31 = tpu.memref_slice %arg2[%add3A, %dma_wait3A_29, %dma_wait3A_30] : memref<32x80x128xi32, #tpu.memory_space<hbm>> -> memref<1x80x128xi32, #tpu.memory_space<hbm>>
      %dma_wait3A_32 = tpu.memref_squeeze %dma_wait3A_31 : memref<1x80x128xi32, #tpu.memory_space<hbm>> -> memref<80x128xi32, #tpu.memory_space<hbm>>
      tpu.wait_dma2 semaphore(%run_scoped3A : memref<!tpu.dma_semaphore, #tpu.memory_space<semaphore_mem>>) src(%dma_wait3A_32 : memref<80x128xi32, #tpu.memory_space<hbm>>) dst(%arg4 : memref<80x128xi32, #tpu.memory_space<vmem>>)
      tpu.yield
    }) : () -> ()
    %broadcast_in_dim3A = arith.constant 0.000000e+00 : f32
    %broadcast_in_dim3A_1 = vector.broadcast %broadcast_in_dim3A : f32 to vector<16xf32>
    %scan3A = arith.constant 0 : i32
    %scan3A_2 = arith.constant 0 : i32
    %scan3A_3 = arith.constant 640 : i32
    %scan3A_4 = arith.addi %scan3A_2, %scan3A_3 : i32
    %scan3A_5 = arith.constant 1 : i32
    %scan3A_6 = scf.for %scan3A_19 = %scan3A_2 to %scan3A_4 step %scan3A_5 iter_args(%scan3A_20 = %scan3A) -> (i32)  : i32 {
      %mul3A_21 = arith.constant 16 : i32
      %mul3A_22 = arith.muli %scan3A_19, %mul3A_21 : i32
      %swap3A = arith.index_cast %mul3A_22 : i32 to index
      %swap3A_23 = tpu.vector_load %arg5[%swap3A] {strides = array<i32>} : memref<10240xf32, #tpu.memory_space<vmem>>, vector<16xf32>,
      tpu.vector_store %arg5[%swap3A], %broadcast_in_dim3A_1 {strides = array<i32>} : memref<10240xf32, #tpu.memory_space<vmem>>, vector<16xf32>,
      %scan3A_24 = arith.constant 0 : i32
      scf.yield %scan3A_24 : i32
    }
    %scan3A_7 = arith.constant 640 : i32
    %broadcast_in_dim3A_8 = arith.constant 1.000000e+00 : f32
    %broadcast_in_dim3A_9 = vector.broadcast %broadcast_in_dim3A_8 : f32 to vector<16xf32>
    %scan3A_10 = arith.constant 0 : i32
    %scan3A_11 = arith.constant 0 : i32
    %scan3A_12 = arith.constant 80 : i32
    %scan3A_13 = arith.addi %scan3A_11, %scan3A_12 : i32
    %scan3A_14 = arith.constant 1 : i32
    %scan3A_15 = scf.for %scan3A_19 = %scan3A_11 to %scan3A_13 step %scan3A_14 iter_args(%scan3A_20 = %scan3A_10) -> (i32)  : i32 {
      %scan3A_21 = arith.constant 0 : i32
      %scan3A_22 = arith.constant 0 : i32
      %scan3A_23 = arith.constant 8 : i32
      %scan3A_24 = arith.addi %scan3A_22, %scan3A_23 : i32
      %scan3A_25 = arith.constant 1 : i32
      %scan3A_26 = scf.for %scan3A_29 = %scan3A_22 to %scan3A_24 step %scan3A_25 iter_args(%scan3A_30 = %scan3A_21) -> (i32)  : i32 {
        %mul3A_31 = arith.constant 16 : i32
        %mul3A_32 = arith.muli %scan3A_29, %mul3A_31 : i32
        %get3A = arith.index_cast %scan3A_19 : i32 to index
        %get3A_33 = arith.index_cast %mul3A_32 : i32 to index
        %get3A_34 = tpu.vector_load %arg4[%get3A, %get3A_33] {strides = array<i32>} : memref<80x128xi32, #tpu.memory_space<vmem>>, vector<16xi32>,
        tpu.vector_store_idx %arg5[%get3A_34], %broadcast_in_dim3A_9 {add = true} : memref<10240xf32, #tpu.memory_space<vmem>>[vector<16xi32>], vector<16xf32>,
        %scan3A_35 = arith.constant 0 : i32
        scf.yield %scan3A_35 : i32
      }
      %scan3A_27 = arith.constant 8 : i32
      %scan3A_28 = arith.constant 0 : i32
      scf.yield %scan3A_28 : i32
    }
    %scan3A_16 = arith.constant 80 : i32
    %mul3A_17 = arith.constant 10240 : i32
    %mul3A_18 = arith.muli %add3A, %mul3A_17 : i32
    "tpu.region"() ({
      %run_scoped3A = tpu.sem_alloc : memref<!tpu.dma_semaphore, #tpu.memory_space<semaphore_mem>>
      %dma_start3A = tpu.memref_slice %arg3[%mul3A_18] : memref<327680xf32, #tpu.memory_space<hbm>> -> memref<10240xf32, #tpu.memory_space<hbm>>
      %dma_start3A_19 = tpu.memref_slice %arg3[%mul3A_18] : memref<327680xf32, #tpu.memory_space<hbm>> -> memref<10240xf32, #tpu.memory_space<hbm>>
      tpu.enqueue_dma source(%arg5 : memref<10240xf32, #tpu.memory_space<vmem>>) target(%dma_start3A_19 : memref<10240xf32, #tpu.memory_space<hbm>>) target_semaphore(%run_scoped3A : memref<!tpu.dma_semaphore, #tpu.memory_space<semaphore_mem>>)
      %dma_wait3A = tpu.memref_slice %arg3[%mul3A_18] : memref<327680xf32, #tpu.memory_space<hbm>> -> memref<10240xf32, #tpu.memory_space<hbm>>
      %dma_wait3A_20 = tpu.memref_slice %arg3[%mul3A_18] : memref<327680xf32, #tpu.memory_space<hbm>> -> memref<10240xf32, #tpu.memory_space<hbm>>
      tpu.wait_dma2 semaphore(%run_scoped3A : memref<!tpu.dma_semaphore, #tpu.memory_space<semaphore_mem>>) src(%arg5 : memref<10240xf32, #tpu.memory_space<vmem>>) dst(%dma_wait3A_20 : memref<10240xf32, #tpu.memory_space<hbm>>)
      tpu.yield
    }) : () -> ()
    return
  }
}

module attributes {stable_mosaic.version = 14 : i64} {
  func.func @_mm1_body(%arg0: i32, %arg1: memref<32x1024xf32, #tpu.memory_space<vmem>>, %arg2: memref<1024x128xf32, #tpu.memory_space<vmem>>, %arg3: memref<128x128xf32, #tpu.memory_space<vmem>>, %arg4: memref<1024x128xf32, #tpu.memory_space<vmem>>) attributes {dimension_semantics = [#tpu.dimension_semantics<arbitrary>], iteration_bounds = array<i64: 10>, scalar_prefetch = 0 : i64, scratch_operands = 0 : i64, tpu.core_type = #tpu.core_type<tc>, window_params = [{transform_indices = @transform_0, window_bounds = array<i64: 32, 1024>}, {transform_indices = @transform_1, window_bounds = array<i64: 1024, 128>}, {pipeline_mode = #tpu.pipeline_mode<synchronous>, transform_indices = @transform_2, window_bounds = array<i64: 128, 128>}, {transform_indices = @transform_3, window_bounds = array<i64: 1024, 128>}]} {
    %get3A = arith.constant 0 : index
    %get3A_0 = arith.constant 0 : index
    %get3A_1 = vector.load %arg1[%get3A, %get3A_0] : memref<32x1024xf32, #tpu.memory_space<vmem>>, vector<32x1024xf32>
    %reduce_sum3A = arith.constant dense<0.000000e+00> : vector<1024xf32>
    %reduce_sum3A_2 = vector.multi_reduction <add>, %get3A_1, %reduce_sum3A [0] : vector<32x1024xf32> to vector<1024xf32>
    %add3A = arith.constant 1.000000e+00 : f32
    %add3A_3 = vector.broadcast %add3A : f32 to vector<1024xf32>
    %add3A_4 = arith.addf %reduce_sum3A_2, %add3A_3 : vector<1024xf32>
    %rsqrt3A = math.rsqrt %add3A_4 : vector<1024xf32>
    %get3A_5 = arith.constant 0 : index
    %get3A_6 = arith.constant 0 : index
    %get3A_7 = vector.load %arg2[%get3A_5, %get3A_6] : memref<1024x128xf32, #tpu.memory_space<vmem>>, vector<1024x128xf32>
    %get3A_8 = arith.constant 0 : index
    %get3A_9 = arith.constant 0 : index
    %get3A_10 = vector.load %arg3[%get3A_8, %get3A_9] : memref<128x128xf32, #tpu.memory_space<vmem>>, vector<128x128xf32>
    %dot_general3A = arith.constant dense<0.000000e+00> : vector<1024x128xf32>
    %dot_general3A_11 = tpu.matmul %get3A_7, %get3A_10, %dot_general3A {dimension_numbers = #tpu.dot_dimension_numbers<[1], [0], [0], [1], [0, 0, 1, 1], [], []>, transpose_lhs_hint = false} : vector<1024x128xf32>, vector<128x128xf32>, vector<1024x128xf32> -> vector<1024x128xf32>
    %broadcast_in_dim3A = vector.shape_cast %rsqrt3A : vector<1024xf32> to vector<1024x1xf32>
    %mul3A = vector.broadcast %broadcast_in_dim3A : vector<1024x1xf32> to vector<1024x128xf32>
    %mul3A_12 = arith.mulf %dot_general3A_11, %mul3A : vector<1024x128xf32>
    %swap3A = arith.constant 0 : index
    %swap3A_13 = arith.constant 0 : index
    %swap3A_14 = vector.load %arg4[%swap3A, %swap3A_13] : memref<1024x128xf32, #tpu.memory_space<vmem>>, vector<1024x128xf32>
    tpu.vector_store %arg4[%swap3A, %swap3A_13], %mul3A_12 {strides = array<i32>} : memref<1024x128xf32, #tpu.memory_space<vmem>>, vector<1024x128xf32>,
    return
  }
  func.func @transform_0(%arg0: i32) -> (i32, i32) {
    %c0_i32 = arith.constant 0 : i32
    %c0_i32_0 = arith.constant 0 : i32
    return %c0_i32, %arg0 : i32, i32
  }
  func.func @transform_1(%arg0: i32) -> (i32, i32) {
    %c0_i32 = arith.constant 0 : i32
    %c0_i32_0 = arith.constant 0 : i32
    return %arg0, %c0_i32 : i32, i32
  }
  func.func @transform_2(%arg0: i32) -> (i32, i32) {
    %c0_i32 = arith.constant 0 : i32
    %c0_i32_0 = arith.constant 0 : i32
    %c0_i32_1 = arith.constant 0 : i32
    return %c0_i32, %c0_i32_0 : i32, i32
  }
  func.func @transform_3(%arg0: i32) -> (i32, i32) {
    %c0_i32 = arith.constant 0 : i32
    %c0_i32_0 = arith.constant 0 : i32
    return %arg0, %c0_i32 : i32, i32
  }
}

module attributes {stable_mosaic.version = 14 : i64} {
  func.func @_mid_body(%arg0: i32, %arg1: memref<32x1024xf32, #tpu.memory_space<vmem>>, %arg2: memref<2x1024x128xf32, #tpu.memory_space<vmem>>, %arg3: memref<1x128xf32, #tpu.memory_space<vmem>>, %arg4: memref<128x128xf32, #tpu.memory_space<vmem>>, %arg5: memref<1024x128xf32, #tpu.memory_space<vmem>>, %arg6: memref<1024x128xf32, #tpu.memory_space<vmem>>) attributes {dimension_semantics = [#tpu.dimension_semantics<arbitrary>], iteration_bounds = array<i64: 10>, scalar_prefetch = 0 : i64, scratch_operands = 0 : i64, tpu.core_type = #tpu.core_type<tc>, window_params = [{transform_indices = @transform_0, window_bounds = array<i64: 32, 1024>}, {transform_indices = @transform_1, window_bounds = array<i64: 2, 1024, 128>}, {pipeline_mode = #tpu.pipeline_mode<synchronous>, transform_indices = @transform_2, window_bounds = array<i64: 1, 128>}, {pipeline_mode = #tpu.pipeline_mode<synchronous>, transform_indices = @transform_3, window_bounds = array<i64: 128, 128>}, {transform_indices = @transform_4, window_bounds = array<i64: 1024, 128>}, {transform_indices = @transform_5, window_bounds = array<i64: 1024, 128>}]} {
    %get3A = arith.constant 0 : index
    %get3A_0 = arith.constant 0 : index
    %get3A_1 = vector.load %arg1[%get3A, %get3A_0] : memref<32x1024xf32, #tpu.memory_space<vmem>>, vector<32x1024xf32>
    %reduce_sum3A = arith.constant dense<0.000000e+00> : vector<1024xf32>
    %reduce_sum3A_2 = vector.multi_reduction <add>, %get3A_1, %reduce_sum3A [0] : vector<32x1024xf32> to vector<1024xf32>
    %add3A = arith.constant 1.000000e+00 : f32
    %add3A_3 = vector.broadcast %add3A : f32 to vector<1024xf32>
    %add3A_4 = arith.addf %reduce_sum3A_2, %add3A_3 : vector<1024xf32>
    %rsqrt3A = math.rsqrt %add3A_4 : vector<1024xf32>
    %get3A_5 = arith.constant 0 : index
    %get3A_6 = arith.constant 0 : index
    %get3A_7 = arith.constant 0 : index
    %get3A_8 = vector.load %arg2[%get3A_5, %get3A_6, %get3A_7] : memref<2x1024x128xf32, #tpu.memory_space<vmem>>, vector<1x1024x128xf32>
    %get3A_9 = vector.shape_cast %get3A_8 : vector<1x1024x128xf32> to vector<1024x128xf32>
    %get3A_10 = arith.constant 1 : index
    %get3A_11 = arith.constant 0 : index
    %get3A_12 = arith.constant 0 : index
    %get3A_13 = vector.load %arg2[%get3A_10, %get3A_11, %get3A_12] : memref<2x1024x128xf32, #tpu.memory_space<vmem>>, vector<1x1024x128xf32>
    %get3A_14 = vector.shape_cast %get3A_13 : vector<1x1024x128xf32> to vector<1024x128xf32>
    %add3A_15 = arith.addf %get3A_9, %get3A_14 : vector<1024x128xf32>
    %broadcast_in_dim3A = vector.shape_cast %rsqrt3A : vector<1024xf32> to vector<1024x1xf32>
    %mul3A = vector.broadcast %broadcast_in_dim3A : vector<1024x1xf32> to vector<1024x128xf32>
    %mul3A_16 = arith.mulf %add3A_15, %mul3A : vector<1024x128xf32>
    %get3A_17 = arith.constant 0 : index
    %get3A_18 = arith.constant 0 : index
    %get3A_19 = vector.load %arg3[%get3A_17, %get3A_18] : memref<1x128xf32, #tpu.memory_space<vmem>>, vector<1x128xf32>
    %add3A_20 = vector.broadcast %get3A_19 : vector<1x128xf32> to vector<1024x128xf32>
    %add3A_21 = arith.addf %mul3A_16, %add3A_20 : vector<1024x128xf32>
    %max3A = arith.constant 0.000000e+00 : f32
    %max3A_22 = vector.broadcast %max3A : f32 to vector<1024x128xf32>
    %max3A_23 = arith.maximumf %add3A_21, %max3A_22 : vector<1024x128xf32>
    %swap3A = arith.constant 0 : index
    %swap3A_24 = arith.constant 0 : index
    %swap3A_25 = vector.load %arg5[%swap3A, %swap3A_24] : memref<1024x128xf32, #tpu.memory_space<vmem>>, vector<1024x128xf32>
    tpu.vector_store %arg5[%swap3A, %swap3A_24], %max3A_23 {strides = array<i32>} : memref<1024x128xf32, #tpu.memory_space<vmem>>, vector<1024x128xf32>,
    %get3A_26 = arith.constant 0 : index
    %get3A_27 = arith.constant 0 : index
    %get3A_28 = vector.load %arg4[%get3A_26, %get3A_27] : memref<128x128xf32, #tpu.memory_space<vmem>>, vector<128x128xf32>
    %dot_general3A = arith.constant dense<0.000000e+00> : vector<1024x128xf32>
    %dot_general3A_29 = tpu.matmul %max3A_23, %get3A_28, %dot_general3A {dimension_numbers = #tpu.dot_dimension_numbers<[1], [0], [0], [1], [0, 0, 1, 1], [], []>, transpose_lhs_hint = false} : vector<1024x128xf32>, vector<128x128xf32>, vector<1024x128xf32> -> vector<1024x128xf32>
    %broadcast_in_dim3A_30 = vector.shape_cast %rsqrt3A : vector<1024xf32> to vector<1024x1xf32>
    %mul3A_31 = vector.broadcast %broadcast_in_dim3A_30 : vector<1024x1xf32> to vector<1024x128xf32>
    %mul3A_32 = arith.mulf %dot_general3A_29, %mul3A_31 : vector<1024x128xf32>
    %swap3A_33 = arith.constant 0 : index
    %swap3A_34 = arith.constant 0 : index
    %swap3A_35 = vector.load %arg6[%swap3A_33, %swap3A_34] : memref<1024x128xf32, #tpu.memory_space<vmem>>, vector<1024x128xf32>
    tpu.vector_store %arg6[%swap3A_33, %swap3A_34], %mul3A_32 {strides = array<i32>} : memref<1024x128xf32, #tpu.memory_space<vmem>>, vector<1024x128xf32>,
    return
  }
  func.func @transform_0(%arg0: i32) -> (i32, i32) {
    %c0_i32 = arith.constant 0 : i32
    %c0_i32_0 = arith.constant 0 : i32
    return %c0_i32, %arg0 : i32, i32
  }
  func.func @transform_1(%arg0: i32) -> (i32, i32, i32) {
    %c0_i32 = arith.constant 0 : i32
    %c0_i32_0 = arith.constant 0 : i32
    %c0_i32_1 = arith.constant 0 : i32
    return %c0_i32, %arg0, %c0_i32_0 : i32, i32, i32
  }
  func.func @transform_2(%arg0: i32) -> (i32, i32) {
    %c0_i32 = arith.constant 0 : i32
    %c0_i32_0 = arith.constant 0 : i32
    %c0_i32_1 = arith.constant 0 : i32
    return %c0_i32, %c0_i32_0 : i32, i32
  }
  func.func @transform_3(%arg0: i32) -> (i32, i32) {
    %c0_i32 = arith.constant 0 : i32
    %c0_i32_0 = arith.constant 0 : i32
    %c0_i32_1 = arith.constant 0 : i32
    return %c0_i32, %c0_i32_0 : i32, i32
  }
  func.func @transform_4(%arg0: i32) -> (i32, i32) {
    %c0_i32 = arith.constant 0 : i32
    %c0_i32_0 = arith.constant 0 : i32
    return %arg0, %c0_i32 : i32, i32
  }
  func.func @transform_5(%arg0: i32) -> (i32, i32) {
    %c0_i32 = arith.constant 0 : i32
    %c0_i32_0 = arith.constant 0 : i32
    return %arg0, %c0_i32 : i32, i32
  }
}

module attributes {stable_mosaic.version = 14 : i64} {
  func.func @_fin_body(%arg0: i32, %arg1: memref<32x1024xf32, #tpu.memory_space<vmem>>, %arg2: memref<2x1024x128xf32, #tpu.memory_space<vmem>>, %arg3: memref<1x128xf32, #tpu.memory_space<vmem>>, %arg4: memref<1024x128xf32, #tpu.memory_space<vmem>>) attributes {dimension_semantics = [#tpu.dimension_semantics<arbitrary>], iteration_bounds = array<i64: 10>, scalar_prefetch = 0 : i64, scratch_operands = 0 : i64, tpu.core_type = #tpu.core_type<tc>, window_params = [{transform_indices = @transform_0, window_bounds = array<i64: 32, 1024>}, {transform_indices = @transform_1, window_bounds = array<i64: 2, 1024, 128>}, {pipeline_mode = #tpu.pipeline_mode<synchronous>, transform_indices = @transform_2, window_bounds = array<i64: 1, 128>}, {transform_indices = @transform_3, window_bounds = array<i64: 1024, 128>}]} {
    %get3A = arith.constant 0 : index
    %get3A_0 = arith.constant 0 : index
    %get3A_1 = vector.load %arg1[%get3A, %get3A_0] : memref<32x1024xf32, #tpu.memory_space<vmem>>, vector<32x1024xf32>
    %reduce_sum3A = arith.constant dense<0.000000e+00> : vector<1024xf32>
    %reduce_sum3A_2 = vector.multi_reduction <add>, %get3A_1, %reduce_sum3A [0] : vector<32x1024xf32> to vector<1024xf32>
    %add3A = arith.constant 1.000000e+00 : f32
    %add3A_3 = vector.broadcast %add3A : f32 to vector<1024xf32>
    %add3A_4 = arith.addf %reduce_sum3A_2, %add3A_3 : vector<1024xf32>
    %rsqrt3A = math.rsqrt %add3A_4 : vector<1024xf32>
    %get3A_5 = arith.constant 0 : index
    %get3A_6 = arith.constant 0 : index
    %get3A_7 = arith.constant 0 : index
    %get3A_8 = vector.load %arg2[%get3A_5, %get3A_6, %get3A_7] : memref<2x1024x128xf32, #tpu.memory_space<vmem>>, vector<1x1024x128xf32>
    %get3A_9 = vector.shape_cast %get3A_8 : vector<1x1024x128xf32> to vector<1024x128xf32>
    %get3A_10 = arith.constant 1 : index
    %get3A_11 = arith.constant 0 : index
    %get3A_12 = arith.constant 0 : index
    %get3A_13 = vector.load %arg2[%get3A_10, %get3A_11, %get3A_12] : memref<2x1024x128xf32, #tpu.memory_space<vmem>>, vector<1x1024x128xf32>
    %get3A_14 = vector.shape_cast %get3A_13 : vector<1x1024x128xf32> to vector<1024x128xf32>
    %add3A_15 = arith.addf %get3A_9, %get3A_14 : vector<1024x128xf32>
    %broadcast_in_dim3A = vector.shape_cast %rsqrt3A : vector<1024xf32> to vector<1024x1xf32>
    %mul3A = vector.broadcast %broadcast_in_dim3A : vector<1024x1xf32> to vector<1024x128xf32>
    %mul3A_16 = arith.mulf %add3A_15, %mul3A : vector<1024x128xf32>
    %get3A_17 = arith.constant 0 : index
    %get3A_18 = arith.constant 0 : index
    %get3A_19 = vector.load %arg3[%get3A_17, %get3A_18] : memref<1x128xf32, #tpu.memory_space<vmem>>, vector<1x128xf32>
    %add3A_20 = vector.broadcast %get3A_19 : vector<1x128xf32> to vector<1024x128xf32>
    %add3A_21 = arith.addf %mul3A_16, %add3A_20 : vector<1024x128xf32>
    %swap3A = arith.constant 0 : index
    %swap3A_22 = arith.constant 0 : index
    %swap3A_23 = vector.load %arg4[%swap3A, %swap3A_22] : memref<1024x128xf32, #tpu.memory_space<vmem>>, vector<1024x128xf32>
    tpu.vector_store %arg4[%swap3A, %swap3A_22], %add3A_21 {strides = array<i32>} : memref<1024x128xf32, #tpu.memory_space<vmem>>, vector<1024x128xf32>,
    return
  }
  func.func @transform_0(%arg0: i32) -> (i32, i32) {
    %c0_i32 = arith.constant 0 : i32
    %c0_i32_0 = arith.constant 0 : i32
    return %c0_i32, %arg0 : i32, i32
  }
  func.func @transform_1(%arg0: i32) -> (i32, i32, i32) {
    %c0_i32 = arith.constant 0 : i32
    %c0_i32_0 = arith.constant 0 : i32
    %c0_i32_1 = arith.constant 0 : i32
    return %c0_i32, %arg0, %c0_i32_0 : i32, i32, i32
  }
  func.func @transform_2(%arg0: i32) -> (i32, i32) {
    %c0_i32 = arith.constant 0 : i32
    %c0_i32_0 = arith.constant 0 : i32
    %c0_i32_1 = arith.constant 0 : i32
    return %c0_i32, %c0_i32_0 : i32, i32
  }
  func.func @transform_3(%arg0: i32) -> (i32, i32) {
    %c0_i32 = arith.constant 0 : i32
    %c0_i32_0 = arith.constant 0 : i32
    return %arg0, %c0_i32 : i32, i32
  }
}

</mosaic_0001>

<sc_bundles>
// kernel: kernel.11.cloned.1.call-start
scs
__scs_entry_jumppad:
0x0: {  	(pc) =	sbr.rel $0x88, $3  }
0x1: {  	(tag) =	ssettag $0x0;
	lr =	simm.s32 $0x1  }
0x2: {  	[smem:$0x3F9B] =	sst lr;
	_ =	strace $0xD0000000  }
0x3: {  	_ = 	snop  }
0x4: {  	_ = 	snop  }
0x5: {  	_ = 	snop  }
0x6: {  	_ = 	snop  }
0x7: {  	_ = 	snop  }
__scs_overlays_trampoline_lowered:
0x8: {  	[smem:$0x3FAA] =	sst s0  }
0x9: {  	[smem:$0x3FAB] =	sst s1  }
0xa: {  	[smem:$0x3FAC] =	sst s2  }
0xb: {  	[smem:$0x3FAD] =	sst s3  }
0xc: {  	[smem:$0x3FAE] =	sst s4  }
0xd: {  	[smem:$0x3FAF] =	sst s5  }
0xe: {  	[smem:$0x3FB0] =	sst s6  }
0xf: {  	[smem:$0x3FB1] =	sst s7  }
0x10: {  	[smem:$0x3FB2] =	sst s8  }
0x11: {  	[smem:$0x3FB3] =	sst s9;
	s0 =	simm.s32 @!p0 $0x0  }
0x12: {  	s1 =	sld [smem:$0x3F99];
	s0 =	simm.s32 @p0 $0x1  }
0x13: {  	[smem:$0x3FB4] =	sst s0;
	s0 =	simm.s32 @!p1 $0x0  }
0x14: {  	s2 =	sld [smem:$0x3F98];
	s0 =	simm.s32 @p1 $0x1  }
0x15: {  	[smem:$0x3FB5] =	sst s0;
	s0 =	simm.s32 @!p2 $0x0  }
0x16: {  	s3 =	sld [smem:$0x3FDB];
	s0 =	simm.s32 @p2 $0x1  }
0x17: {  	s4 =	simm.s32 $0x1BF5;
	[smem:$0x3FB7] =	sst s0  }
0x18: {  	s0 =	sld [smem:$0x3F9A];
	_ =	swait.ge [sflag:s4], $0x0  }
0x19: {  	s7 =	sld [smem:$0x3F9B]  }
0x1a: {  	s8 =	sadd.s32 $0xFFFFE003, lr  }
0x1b: {  	s9 =	sadd.s32 $0xFFFFFEF7, lr;
	s5 =	simm.s32 $0xFFFFFFFF;
	p2 =	slt.u32 s8, $0xFFFFF086  }
0x1c: {  	p1 =	slt.u32 s9, $0xF7A;
	s5 =	simm.s32 @!p2 $0x0  }
0x1d: {  	s5 =	simm.s32 @p1 $0x1;
	p0 =	seq.s32 s7, s2  }
0x1e: {  	s7 =	smul.u32 @!p0 $0xF7A, s2;
	p2 =	seq.s32 @!p0 s5, $0x0  }
0x1f: {  	s9 =	smul.u32 $0xF7A, s1;
	s8 =	simm.s32 @!p0 $0x1BF5;
	p2 =	por !p2, p0  }
0x20: {  	[sflag:s8] =	ssyncset.s32 @!p0 $0xFFFFF086;
	s6 =	sadd.s32 @!p0 s3, s7;
	s7 =	simm.s32 @!p0 $0x108  }
0x21: {  	s3 =	sadd.s32 s3, s9;
	s6 =	sadd.s32 @!p0 $0x88, s6;
	s7 =	simm.s32 @p2 $0x1082  }
0x22: {  	[simem:s7], [sflag:s8] =	dma.local @!p0 [hbm:s6], $0xF7A  }
0x23: {  	s9 =	sor.u32 $0xD0000000, s2;
	s6 =	simm.s32 $0x108;
	_ =	swait.ge @!p0 [sflag:s8], $0x0  }
0x24: {  	s3 =	sadd.s32 $0x88, s3;
	s6 =	simm.s32 @!p1 $0x1082;
	[sflag:s4] =	ssyncset.s32 $0xFFFFF086  }
0x25: {  	[simem:s6], [sflag:s4] =	dma.local [hbm:s3], $0xF7A  }
0x26: {  	[smem:$0x3F9B] =	sst s1;
	(tag) =	ssettag s2;
	_ =	strace s9  }
0x27: {  	s1 =	sld [smem:$0x3FAB]  }
0x28: {  	s2 =	sld [smem:$0x3FAC]  }
0x29: {  	s4 =	sld [smem:$0x3FAE]  }
0x2a: {  	p0 =	seq.s32 s5, $0x0;
	s5 =	sld [smem:$0x3FAF]  }
0x2b: {  	s6 =	sld [smem:$0x3FB0]  }
0x2c: {  	s7 =	sld [smem:$0x3FB1]  }
0x2d: {  	s3 =	simm.s32 $0x108;
	s8 =	sld [smem:$0x3FB2]  }
0x2e: {  	s3 =	simm.s32 @!p0 $0x1082;
	s9 =	sld [smem:$0x3FB3]  }
0x2f: {  	lr =	sadd.s32 s0, s3;
	s0 =	sld [smem:$0x3FAA]  }
0x30: {  	s3 =	sld [smem:$0x3FAD]  }
0x31: {  	[smem:$0x3FB6] =	sst s10  }
0x32: {  	s10 =	sld [smem:$0x3FB4];
	_ =	sdelay $0x3  }
0x33: {  	p0 =	seq.s32 s10, $0x1;
	s10 =	sld [smem:$0x3FB6];
	_ =	sdelay $0x3  }
0x34: {  	[smem:$0x3FB6] =	sst s10  }
0x35: {  	s10 =	sld [smem:$0x3FB5];
	_ =	sdelay $0x3  }
0x36: {  	p1 =	seq.s32 s10, $0x1;
	s10 =	sld [smem:$0x3FB6];
	_ =	sdelay $0x3  }
0x37: {  	[smem:$0x3FB6] =	sst s10  }
0x38: {  	s10 =	sld [smem:$0x3FB7]  }
0x39: {  	_ = 	snop;
	(pc) =	sbr.ind lr, $3  }
0x3a: {  	_ = 	snop  }
0x3b: {  	_ = 	snop  }
0x3c: {  	p2 =	seq.s32 s10, $0x1;
	s10 =	sld [smem:$0x3FB6]  }
0x3d: {  	_ =	shalt  }
0x3e: {  	_ =	shalt  }
0x3f: {  	_ =	shalt  }
0x40: {  	_ =	shalt  }
0x41: {  	_ =	shalt  }
0x42: {  	_ =	shalt  }
0x43: {  	_ =	shalt  }
0x44: {  	_ =	shalt  }
0x45: {  	_ =	shalt  }
0x46: {  	_ =	shalt  }
0x47: {  	_ =	shalt  }
0x48: {  	_ =	shalt  }
0x49: {  	_ =	shalt  }
0x4a: {  	_ =	shalt  }
0x4b: {  	_ =	shalt  }
0x4c: {  	_ =	shalt  }
0x4d: {  	_ =	shalt  }
0x4e: {  	_ =	shalt  }
0x4f: {  	_ =	shalt  }
0x50: {  	_ =	shalt  }
0x51: {  	_ =	shalt  }
0x52: {  	_ =	shalt  }
0x53: {  	_ =	shalt  }
0x54: {  	_ =	shalt  }
0x55: {  	_ =	shalt  }
0x56: {  	_ =	shalt  }
0x57: {  	_ =	shalt  }
0x58: {  	_ =	shalt  }
0x59: {  	_ =	shalt  }
0x5a: {  	_ =	shalt  }
0x5b: {  	_ =	shalt  }
0x5c: {  	_ =	shalt  }
0x5d: {  	_ =	shalt  }
0x5e: {  	_ =	shalt  }
0x5f: {  	_ =	shalt  }
0x60: {  	_ =	shalt  }
0x61: {  	_ =	shalt  }
0x62: {  	_ =	shalt  }
0x63: {  	_ =	shalt  }
0x64: {  	_ =	shalt  }
0x65: {  	_ =	shalt  }
0x66: {  	_ =	shalt  }
0x67: {  	_ =	shalt  }
0x68: {  	_ =	shalt  }
0x69: {  	_ =	shalt  }
0x6a: {  	_ =	shalt  }
0x6b: {  	_ =	shalt  }
0x6c: {  	_ =	shalt  }
0x6d: {  	_ =	shalt  }
0x6e: {  	_ =	shalt  }
0x6f: {  	_ =	shalt  }
0x70: {  	_ =	shalt  }
0x71: {  	_ =	shalt  }
0x72: {  	_ =	shalt  }
0x73: {  	_ =	shalt  }
0x74: {  	_ =	shalt  }
0x75: {  	_ =	shalt  }
0x76: {  	_ =	shalt  }
0x77: {  	_ =	shalt  }
0x78: {  	_ =	shalt  }
0x79: {  	_ =	shalt  }
0x7a: {  	_ =	shalt  }
0x7b: {  	_ =	shalt  }
0x7c: {  	_ =	shalt  }
0x7d: {  	_ =	shalt  }
0x7e: {  	_ =	shalt  }
0x7f: {  	_ =	shalt  }
0x80: {  	_ =	shalt  }
0x81: {  	_ =	shalt  }
0x82: {  	_ =	shalt  }
0x83: {  	_ =	shalt  }
0x84: {  	_ =	shalt  }
0x85: {  	_ =	shalt  }
0x86: {  	_ =	shalt  }
0x87: {  	_ =	shalt  }
.Lfunc_end0:
.L_simem_size_0:
called_computation.1_lowered:
.L_overlay_start_0:
0x88: {  	s2 =	sld [smem:$0x3FD9]  }
0x89: {  	s3 =	sld [smem:$0x3FFE];
	_ =	sdelay $0x1  }
0x8a: {  	s1 =	srdreg.scid  }
0x8b: {  	s0 =	sand.u32 $0x1, s1  }
0x8c: {  	s14 =	sshll.u32 s0, $0xA;
	s2 =	sadd.s32 s3, s2  }
0x8d: {  	s2 =	sadd.s32 s2, s14  }
0x8e: {  	[smem:$0x3FC2] =	sst s2  }
0x8f: {  	_ = 	snop  }
0x90: {  	s2 =	sld [smem:$0x3FD0];
	_ =	sdelay $0x2  }
0x91: {  	s15 =	simm.s32 $0xA;
	s4 =	simm.s32 $0x10  }
0x92: {  	[smem:s4], [sflag:s15] =	dma.local [hbm:s2], $0x1  }
0x93: {  	_ =	swait.eq [sflag:s15], $0x1  }
0x94: {  	[sflag:s15] =	ssyncset.done $0x0  }
0x95: {  	[sflag:s15] =	ssyncadd.s32 $0xFFFFFFFF  }
0x96: {  	s16 =	sld [smem:$0x11];
	(tm) =	ssettm $0x1  }
0x97: {  	s17 =	sld [smem:$0x3FFB];
	_ =	sdelay $0x3  }
0x98: {  	_ =	strace s17  }
0x99: {  	s3 =	sld [smem:$0x3FFC];
	_ =	sdelay $0x3  }
0x9a: {  	_ =	strace s3  }
0x9b: {  	s3 =	sld [smem:$0x3FFD];
	_ =	sdelay $0x3  }
0x9c: {  	_ =	strace s3  }
0x9d: {  	_ =	strace $0x8FFFFFFF  }
0x9e: {  	s18 =	sld [smem:$0x3FDB];
	_ =	sdelay $0x1  }
0x9f: {  	s19 =	simm.s32 $_scs_section_size  }
0xa0: {  	s5 =	simm.s32 $_size__tile_overlayer_lowered;
	s6 =	simm.s32 $_tile_overlayer_lowered  }
0xa1: {  	s22 =	simm.s32 $0x1BFF;
	s21 =	sshll.u32 s6, $0x1;
	s3 =	sadd.s32 s19, s18  }
0xa2: {  	s7 =	simm.s32 $0x0;
	s20 =	sshll.u32 s5, $0x1;
	s5 =	sadd.s32 s21, s3  }
0xa3: {  	[timem:s7], [sflag:s22] =	dma.local [hbm:s5], s20  }
0xa4: {  	_ =	swait.ge [sflag:s22], s20  }
0xa5: {  	s4 =	ssub.s32 $0x0, s20;
	[sflag:s22] =	ssyncset.done $0x0  }
0xa6: {  	[sflag:s22] =	ssyncadd.s32 s4;
	_ =	sdelay $0x1  }
0xa7: {  	s23 =	simm.s32 $0x1B8B  }
0xa8: {  	_ =	swait.ge [sflag:s23], $0x1  }
0xa9: {  	[sflag:s23] =	ssyncset.done $0x0  }
0xaa: {  	s25 =	simm.s32 $0x1B8E;
	s24 =	sld [smem:$0x3FFE];
	[sflag:s23] =	ssyncadd.s32 $0xFFFFFFFF  }
0xab: {  	s26 =	simm.s32 $execute0_lowered;
	[smem:$0x3FD2] =	sst s25  }
0xac: {  	s5 =	sshll.u32 s26, $0x1;
	_ =	strace $0x80000049;
	[dreg:$0x1] =	wrdreg $0xFFFFFFFF  }
0xad: {  	s28 =	simm.s32 $_size_execute0_lowered;
	s3 =	sadd.s32 s3, s5;
	[dreg:$0x0] =	wrdreg $0x0  }
0xae: {  	s5 =	sshll.u32 s28, $0x1;
	[dreg:$0x2] =	wrdreg s3  }
0xaf: {  	[dreg:$0x3] =	wrdreg s5  }
0xb0: {  	[dreg:$0x4] =	wrdreg $0xC0  }
0xb1: {  	_ =	task [dreg:s7], $0x5FFFF  }
0xb2: {  	[dreg:$0x1] =	wrdreg $0xFFFFFFFF  }
0xb3: {  	[dreg:$0x0] =	wrdreg $0x60  }
0xb4: {  	[dreg:$0x2] =	wrdreg s24  }
0xb5: {  	[dreg:$0x3] =	wrdreg s16  }
0xb6: {  	[dreg:$0x4] =	wrdreg $0xA8000  }
0xb7: {  	[dreg:$0x5] =	wrdreg $0x9  }
0xb8: {  	_ =	task.clear_ibuf [dreg:s7], $0x6FFFF;
	_ =	strace $0x90000049  }
0xb9: {  	s29 =	simm.s32 $0x9;
	_ =	strace $0x8000004B  }
0xba: {  	_ =	swait.ge [sflag:s29], $0x1  }
0xbb: {  	[sflag:s29] =	ssyncadd.s32 $0xFFFFFFFF  }
0xbc: {  	_ =	strace $0x9000004B  }
0xbd: {  	_ =	sfence  }
0xbe: {  	s30 =	sld [smem:$0x0];
	_ =	sdelay $0x2  }
0xbf: {  	s31 =	sshll.u32 s1, $0xD;
	s1 =	sshrl.u32 s1, $0x2  }
0xc0: {  	s3 =	sand.u32 $0x4000, s31;
	s1 =	sadd.s32 s1, s30  }
0xc1: {  	s0 =	sor.u32 s3, s0;
	s1 =	sshll.u32 s1, $0x11  }
0xc2: {  	s0 =	sor.u32 s1, s0  }
0xc3: {  	s0 =	sadd.s32 $0x8F2B, s0  }
0xc4: {  	[sflag:s0] =	ssyncadd.remote.s32 $0x1  }
0xc5: {  	_ =	sfence.sel $0xFFFF  }
0xc6: {  	[dreg:$0x0] =	wrdreg $0xFFFFFFFF;
	(pc) =	sbr.abs _section_cstart, $3  }
0xc7: {  	[dreg:$0x1] =	wrdreg $0xFFFFFFFF  }
0xc8: {  	_ =	task.clear_ibuf [dreg:s7], $0x2FFFF;
	_ =	strace $0x9FFFFFFF  }
0xc9: {  	(tm) =	ssettm $0x7FFFFFFF  }
tec
execute0_lowered:
.L_overlay_start_1:
0x0: {  	(tag) =	ssettag $0x1  }
0x1: {  	s5 =	rddreg [dreg:$0x0]  }
0x2: {  	s8 =	rddreg [dreg:$0x1]  }
0x3: {  	s1 =	rddreg [dreg:$0x2];
	s2 =	srdreg.scid  }
0x4: {  	s0 =	rddreg [dreg:$0x3];
	s3 =	simm.s32 $0x0;
	s15 =	simm.s32 $0x2800  }
0x5: {  	s16 =	simm.s32 $0x6800;
	s19 =	simm.s32 $0x1;
	s20 =	simm.s32 $0x2  }
0x6: {  	s21 =	simm.s32 $0x2700;
	s22 =	simm.s32 $0x2780;
	s23 =	simm.s32 $0x0  }
0x7: {  	s7 =	sand.u32 $0x1, s2;
	s2 =	stileid.u32;
	[smem:$0x7FF] =	sst s3  }
0x8: {  	s4 =	sadd.s32 $0xC000, s5;
	s26 =	sadd.s32 $0x2000, s5;
	s6 =	smul.u32 $0x140000, s7  }
0x9: {  	s11 =	sadd.s32 $0x34000, s5;
	s9 =	smul.u32 $0x14000, s2;
	_ =	strace $0x8000004A  }
0xa: {  	s10 =	sshll.u32 s2, $0x1;
	s28 =	ssub.s32 $0x2, s7;
	s13 =	smul.u32 $0x50000, s2  }
0xb: {  	p0 =	seq.s32 s7, $0x0;
	s31 =	smul.u32 $0x2800, s2;
	s17 =	sshll.u32 s2, $0x6  }
0xc: {  	s25 =	sor.u32 s7, s10;
	s29 =	sshrl.u32 s28, $0x1;
	s11 =	smov.u32 @p0 s4  }
0xd: {  	s17 =	sor.u32 $0x1C03, s17;
	s6 =	sadd.s32 s9, s6;
	s9 =	smul.u32 $0x2800, s25  }
0xe: {  	s14 =	ssub.s32 s28, s29;
	s30 =	sshrl.u32 s13, $0x2;
	s11 =	sadd.s32 s11, s31  }
0xf: {  	s13 =	simm.s32 $0x1400;
	s6 =	sshrl.u32 s6, $0x3;
	s18 =	sadd.s32 s30, s1  }
0x10: {  	s10 =	smax.u32 s14, $0x1;
	s12 =	sadd.s32 s6, s5;
	s9 =	sshrl.u32 s9, $0x3  }
0x11: {  	s5 =	sadd.s32 s26, s9;
	s6 =	sadd.s32 s8, s9;
	s9 =	sadd.s32 $0x280, s9  }
0x12: {  	s14 =	simm.s32 $0x80;
	s18 =	sshrl.u32 s18, $0x3;
	s7 =	sadd.s32 s26, s9  }
0x13: {  	s8 =	sadd.s32 s8, s9;
	s9 =	sadd.s32 $0x5C000, s12;
	s12 =	simm.s32 $0x3  }
.LBB2_1:
0x14: {  	[tilespmem:s3], [sflag:$0x3] =	stream.linear.gather [hbm4b:s5+s3], $0x1400, $0x38;
	[tilespmem:$0x1E800] =	vst v63  }
0x15: {  	_ =	swait.ge [sflag:s12], $0x1400  }
0x16: {  	[sflag:s12] =	ssyncset.done $0x0  }
0x17: {  	[sflag:s12] =	ssyncadd.s32 $0xFFFFEC00  }
0x18: {  	[tilespmem:s13], [sflag:$0x3] =	stream.linear.gather [hbm4b:s6+s3], $0x1400, $0x38;
	[tilespmem:$0x1E800] =	vst v63  }
0x19: {  	_ =	swait.ge [sflag:s12], $0x1400  }
0x1a: {  	[sflag:s12] =	ssyncset.done $0x0  }
0x1b: {  	[sflag:s12] =	ssyncadd.s32 $0xFFFFEC00  }
0x1c: {  	[tilespmem:s15], [sflag:$0x1] =	stream.indirect.gather [hbm4b:s4+s14], $0x80, s3, s14, $0xb8;
	[tilespmem:$0x1E800] =	vst v63  }
0x1d: {  	_ = 	snop  }
0x1e: {  	[tilespmem:s16], [sflag:$0x2] =	stream.indirect.gather [hbm4b:s4+s14], $0x80, s14, s14, $0xb8;
	[tilespmem:$0x1E800] =	vst v63  }
0x1f: {  	[spmem:s18], [sflag:s17] =	dma.local [hbm:s11], $0x2800  }
0x20: {  	_ =	swait.ge [sflag:s12], $0x2800  }
0x21: {  	[sflag:s12] =	ssyncset.done $0x0  }
0x22: {  	[sflag:s12] =	ssyncadd.s32 $0xFFFFD800  }
0x23: {  	[bflag:$0x0] =	sbarrier.arrive $0xFFFF  }
0x24: {  	_ =	swait.ge [sflag:s19], $0x4000  }
0x25: {  	[sflag:s19] =	ssyncset.done $0x0  }
0x26: {  	s24 =	simm.s32 $0x1400;
	[sflag:s19] =	ssyncadd.s32 $0xFFFFC000  }
0x27: {  	[spmem:s1] =	stream.indirect.scatter.add.f32 [tilespmem:s15], [sflag:$0x3], $0x80, s24, s14, $0xb8;
	[tilespmem:$0x1E800] =	vst v63  }
0x28: {  	_ =	swait.ge [sflag:s12], $0x4000  }
0x29: {  	[sflag:s12] =	ssyncset.done $0x0  }
0x2a: {  	s30 =	simm.s32 $0x100;
	[sflag:s12] =	ssyncadd.s32 $0xFFFFC000  }
0x2b: {  	[tilespmem:s15], [sflag:$0x1] =	stream.indirect.gather [hbm4b:s4+s14], $0x80, s30, s14, $0xb8;
	[tilespmem:$0x1E800] =	vst v63  }
0x2c: {  	_ =	swait.ge [sflag:s20], $0x4000  }
0x2d: {  	[sflag:s20] =	ssyncset.done $0x0  }
0x2e: {  	s31 =	simm.s32 $0x1480;
	[sflag:s20] =	ssyncadd.s32 $0xFFFFC000  }
0x2f: {  	[spmem:s1] =	stream.indirect.scatter.add.f32 [tilespmem:s16], [sflag:$0x3], $0x80, s31, s14, $0xb8;
	[tilespmem:$0x1E800] =	vst v63  }
0x30: {  	_ =	swait.ge [sflag:s12], $0x4000  }
0x31: {  	[sflag:s12] =	ssyncset.done $0x0  }
0x32: {  	s25 =	simm.s32 $0x180;
	s24 =	simm.s32 $0x400;
	[sflag:s12] =	ssyncadd.s32 $0xFFFFC000  }
.LBB2_2:
0x33: {  	[tilespmem:s16], [sflag:$0x2] =	stream.indirect.gather [hbm4b:s4+s14], $0x80, s25, s14, $0xb8;
	[tilespmem:$0x1E800] =	vst v63  }
0x34: {  	s25 =	smov.u32 s24  }
0x35: {  	p0 =	sne.s32 s24, $0x4800;
	s24 =	sadd.s32 $0x400, s24;
	_ =	swait.ge [sflag:s19], $0x4000  }
0x36: {  	s25 =	sshra.s32 s25, $0x2;
	[sflag:s19] =	ssyncset.done $0x0  }
0x37: {  	s26 =	sadd.s32 $0x1400, s25;
	[sflag:s19] =	ssyncadd.s32 $0xFFFFC000  }
0x38: {  	[spmem:s1] =	stream.indirect.scatter.add.f32 [tilespmem:s15], [sflag:$0x3], $0x80, s26, s14, $0xb8;
	[tilespmem:$0x1E800] =	vst v63  }
0x39: {  	_ =	swait.ge [sflag:s12], $0x4000  }
0x3a: {  	[sflag:s12] =	ssyncset.done $0x0  }
0x3b: {  	s26 =	sadd.s32 $0x100, s25;
	[sflag:s12] =	ssyncadd.s32 $0xFFFFC000  }
0x3c: {  	[tilespmem:s15], [sflag:$0x1] =	stream.indirect.gather [hbm4b:s4+s14], $0x80, s26, s14, $0xb8;
	[tilespmem:$0x1E800] =	vst v63  }
0x3d: {  	_ =	swait.ge [sflag:s20], $0x4000  }
0x3e: {  	[sflag:s20] =	ssyncset.done $0x0  }
.Ltmp0:
0x3f: {  	s26 =	sadd.s32 $0x1480, s25;
	[sflag:s20] =	ssyncadd.s32 $0xFFFFC000;
	(pc) =	sbr.rel @p0 .LBB2_2-.Ltmp0, $4  }
0x40: {  	[spmem:s1] =	stream.indirect.scatter.add.f32 [tilespmem:s16], [sflag:$0x3], $0x80, s26, s14, $0xb8;
	[tilespmem:$0x1E800] =	vst v63  }
0x41: {  	_ =	swait.ge [sflag:s12], $0x4000  }
0x42: {  	[sflag:s12] =	ssyncset.done $0x0  }
0x43: {  	s25 =	sadd.s32 $0x180, s25;
	[sflag:s12] =	ssyncadd.s32 $0xFFFFC000  }
0x44: {  	[tilespmem:s16], [sflag:$0x2] =	stream.indirect.gather [hbm4b:s4+s14], $0x80, s25, s14, $0xb8;
	[tilespmem:$0x1E800] =	vst v63  }
0x45: {  	_ =	swait.ge [sflag:s19], $0x4000  }
0x46: {  	[sflag:s19] =	ssyncset.done $0x0  }
0x47: {  	[sflag:s19] =	ssyncadd.s32 $0xFFFFC000  }
0x48: {  	[spmem:s1] =	stream.indirect.scatter.add.f32 [tilespmem:s15], [sflag:$0x3], $0x80, s21, s14, $0xb8;
	[tilespmem:$0x1E800] =	vst v63  }
0x49: {  	_ =	swait.ge [sflag:s12], $0x4000  }
0x4a: {  	[sflag:s12] =	ssyncset.done $0x0  }
0x4b: {  	[sflag:s12] =	ssyncadd.s32 $0xFFFFC000  }
0x4c: {  	_ =	swait.ge [sflag:s20], $0x4000  }
0x4d: {  	[sflag:s20] =	ssyncset.done $0x0  }
0x4e: {  	[sflag:s20] =	ssyncadd.s32 $0xFFFFC000  }
0x4f: {  	[spmem:s1] =	stream.indirect.scatter.add.f32 [tilespmem:s16], [sflag:$0x3], $0x80, s22, s14, $0xb8;
	[tilespmem:$0x1E800] =	vst v63  }
0x50: {  	_ =	swait.ge [sflag:s12], $0x4000  }
0x51: {  	[sflag:s12] =	ssyncset.done $0x0  }
0x52: {  	s24 =	simm.s32 $0x0;
	[sflag:s12] =	ssyncadd.s32 $0xFFFFC000  }
0x53: {  	[tilespmem:s24], [sflag:$0x3] =	stream.linear.gather [hbm4b:s7+s24], $0x1400, $0x38;
	[tilespmem:$0x1E800] =	vst v63  }
0x54: {  	_ =	swait.ge [sflag:s12], $0x1400  }
0x55: {  	[sflag:s12] =	ssyncset.done $0x0  }
0x56: {  	[sflag:s12] =	ssyncadd.s32 $0xFFFFEC00  }
0x57: {  	[tilespmem:s13], [sflag:$0x3] =	stream.linear.gather [hbm4b:s8+s24], $0x1400, $0x38;
	[tilespmem:$0x1E800] =	vst v63  }
0x58: {  	_ =	swait.ge [sflag:s12], $0x1400  }
0x59: {  	[sflag:s12] =	ssyncset.done $0x0  }
0x5a: {  	[sflag:s12] =	ssyncadd.s32 $0xFFFFEC00  }
0x5b: {  	[tilespmem:s15], [sflag:$0x1] =	stream.indirect.gather [hbm4b:s4+s14], $0x80, s24, s14, $0xb8;
	[tilespmem:$0x1E800] =	vst v63  }
0x5c: {  	_ = 	snop  }
0x5d: {  	[tilespmem:s16], [sflag:$0x2] =	stream.indirect.gather [hbm4b:s4+s14], $0x80, s14, s14, $0xb8;
	[tilespmem:$0x1E800] =	vst v63  }
0x5e: {  	_ =	swait.ge [sflag:s19], $0x4000  }
0x5f: {  	[sflag:s19] =	ssyncset.done $0x0  }
0x60: {  	s29 =	simm.s32 $0x1400;
	[sflag:s19] =	ssyncadd.s32 $0xFFFFC000  }
0x61: {  	[spmem:s1] =	stream.indirect.scatter.add.f32 [tilespmem:s15], [sflag:$0x3], $0x80, s29, s14, $0xb8;
	[tilespmem:$0x1E800] =	vst v63  }
0x62: {  	_ =	swait.ge [sflag:s12], $0x4000  }
0x63: {  	[sflag:s12] =	ssyncset.done $0x0  }
0x64: {  	s30 =	simm.s32 $0x100;
	[sflag:s12] =	ssyncadd.s32 $0xFFFFC000  }
0x65: {  	[tilespmem:s15], [sflag:$0x1] =	stream.indirect.gather [hbm4b:s4+s14], $0x80, s30, s14, $0xb8;
	[tilespmem:$0x1E800] =	vst v63  }
0x66: {  	_ =	swait.ge [sflag:s20], $0x4000  }
0x67: {  	[sflag:s20] =	ssyncset.done $0x0  }
0x68: {  	s31 =	simm.s32 $0x1480;
	[sflag:s20] =	ssyncadd.s32 $0xFFFFC000  }
0x69: {  	[spmem:s1] =	stream.indirect.scatter.add.f32 [tilespmem:s16], [sflag:$0x3], $0x80, s31, s14, $0xb8;
	[tilespmem:$0x1E800] =	vst v63  }
0x6a: {  	_ =	swait.ge [sflag:s12], $0x4000  }
0x6b: {  	[sflag:s12] =	ssyncset.done $0x0  }
0x6c: {  	s25 =	simm.s32 $0x180;
	s24 =	simm.s32 $0x400;
	[sflag:s12] =	ssyncadd.s32 $0xFFFFC000  }
.LBB2_4:
0x6d: {  	[tilespmem:s16], [sflag:$0x2] =	stream.indirect.gather [hbm4b:s4+s14], $0x80, s25, s14, $0xb8;
	[tilespmem:$0x1E800] =	vst v63  }
0x6e: {  	s25 =	smov.u32 s24  }
0x6f: {  	p0 =	sne.s32 s24, $0x4800;
	s24 =	sadd.s32 $0x400, s24;
	_ =	swait.ge [sflag:s19], $0x4000  }
0x70: {  	s25 =	sshra.s32 s25, $0x2;
	[sflag:s19] =	ssyncset.done $0x0  }
0x71: {  	s26 =	sadd.s32 $0x1400, s25;
	[sflag:s19] =	ssyncadd.s32 $0xFFFFC000  }
0x72: {  	[spmem:s1] =	stream.indirect.scatter.add.f32 [tilespmem:s15], [sflag:$0x3], $0x80, s26, s14, $0xb8;
	[tilespmem:$0x1E800] =	vst v63  }
0x73: {  	_ =	swait.ge [sflag:s12], $0x4000  }
0x74: {  	[sflag:s12] =	ssyncset.done $0x0  }
0x75: {  	s26 =	sadd.s32 $0x100, s25;
	[sflag:s12] =	ssyncadd.s32 $0xFFFFC000  }
0x76: {  	[tilespmem:s15], [sflag:$0x1] =	stream.indirect.gather [hbm4b:s4+s14], $0x80, s26, s14, $0xb8;
	[tilespmem:$0x1E800] =	vst v63  }
0x77: {  	_ =	swait.ge [sflag:s20], $0x4000  }
0x78: {  	[sflag:s20] =	ssyncset.done $0x0  }
.Ltmp1:
0x79: {  	s26 =	sadd.s32 $0x1480, s25;
	[sflag:s20] =	ssyncadd.s32 $0xFFFFC000;
	(pc) =	sbr.rel @p0 .LBB2_4-.Ltmp1, $4  }
0x7a: {  	[spmem:s1] =	stream.indirect.scatter.add.f32 [tilespmem:s16], [sflag:$0x3], $0x80, s26, s14, $0xb8;
	[tilespmem:$0x1E800] =	vst v63  }
0x7b: {  	_ =	swait.ge [sflag:s12], $0x4000  }
0x7c: {  	[sflag:s12] =	ssyncset.done $0x0  }
0x7d: {  	s25 =	sadd.s32 $0x180, s25;
	[sflag:s12] =	ssyncadd.s32 $0xFFFFC000  }
0x7e: {  	[tilespmem:s16], [sflag:$0x2] =	stream.indirect.gather [hbm4b:s4+s14], $0x80, s25, s14, $0xb8;
	[tilespmem:$0x1E800] =	vst v63  }
0x7f: {  	_ =	swait.ge [sflag:s19], $0x4000  }
0x80: {  	[sflag:s19] =	ssyncset.done $0x0  }
0x81: {  	[sflag:s19] =	ssyncadd.s32 $0xFFFFC000  }
0x82: {  	[spmem:s1] =	stream.indirect.scatter.add.f32 [tilespmem:s15], [sflag:$0x3], $0x80, s21, s14, $0xb8;
	[tilespmem:$0x1E800] =	vst v63  }
0x83: {  	_ =	swait.ge [sflag:s12], $0x4000  }
0x84: {  	[sflag:s12] =	ssyncset.done $0x0  }
0x85: {  	[sflag:s12] =	ssyncadd.s32 $0xFFFFC000  }
0x86: {  	_ =	swait.ge [sflag:s20], $0x4000  }
0x87: {  	[sflag:s20] =	ssyncset.done $0x0  }
0x88: {  	[sflag:s20] =	ssyncadd.s32 $0xFFFFC000  }
0x89: {  	[spmem:s1] =	stream.indirect.scatter.add.f32 [tilespmem:s16], [sflag:$0x3], $0x80, s22, s14, $0xb8;
	[tilespmem:$0x1E800] =	vst v63  }
0x8a: {  	_ =	swait.ge [sflag:s12], $0x4000  }
0x8b: {  	s23 =	sadd.s32 $0x1, s23;
	[sflag:s12] =	ssyncset.done $0x0  }
0x8c: {  	p0 =	sne.s32 s23, s10;
	[sflag:s12] =	ssyncadd.s32 $0xFFFFC000  }
.Ltmp2:
0x8d: {  	[bflag:$0x0] =	sbarrier.arrive $0xFFFF;
	(pc) =	sbr.rel @p0 .LBB2_1-.Ltmp2, $4  }
0x8e: {  	[hbm:s9], [sflag:s17] =	dma.local [spmem:s18], $0x2800  }
0x8f: {  	_ =	swait.ge [sflag:s12], $0x2800  }
0x90: {  	[sflag:s12] =	ssyncset.done $0x0  }
0x91: {  	[sflag:s12] =	ssyncadd.s32 $0xFFFFD800  }
0x92: {  	_ =	sfence.sel $0x180000  }
0x93: {  	[bflag:$0x0] =	sbarrier.arrive $0xFFFF  }
0x94: {  	p0 =	sne.s32 s2, $0x0;
	_ =	strace $0x9000004A  }
0x95: {  	s0 =	sadd.s32 @!p0 $0x100000, s0;
	[bflag:$0x2] =	sbarrier.arrive $0xFFFF  }
0x96: {  	[sflag:s0] =	ssyncadd.tile.s32 @!p0 $0x1;
	_ =	shalt  }
.Lfunc_end2:
_tile_overlayer_lowered:
.L_overlay_start_2:
0x97: {  	(tag) =	ssettag $0x2  }
0x98: {  	s0 =	rddreg [dreg:$0x0];
	s2 =	stileid.u32  }
0x99: {  	s1 =	rddreg [dreg:$0x1];
	p0 =	sne.s32 s2, $0x0  }
0x9a: {  	s3 =	rddreg [dreg:$0x2];
	[bflag:$0x3] =	sbarrier.arrive $0xFFFF;
	s2 =	simm.s32 @!p0 $0x1C03  }
0x9b: {  	[timem:s3], [sflag:s2] =	dma.local @!p0 [hbm:s0], s1  }
0x9c: {  	s0 =	simm.s32 @!p0 $0x3  }
0x9d: {  	_ =	swait.ge @!p0 [sflag:s0], s1  }
0x9e: {  	s1 =	ssub.s32 @!p0 $0x0, s1;
	[sflag:s0] =	ssyncset.done @!p0 $0x0  }
0x9f: {  	[sflag:s0] =	ssyncadd.s32 @!p0 s1  }
0xa0: {  	[bflag:$0x3] =	sbarrier.arrive $0xFFFF  }
0xa1: {  	_ =	shalt  }

// kernel: kernel.14.cloned.1.call-start
scs
__scs_entry_jumppad:
0x0: {  	(pc) =	sbr.rel $0x88, $3  }
0x1: {  	(tag) =	ssettag $0x0;
	lr =	simm.s32 $0x1  }
0x2: {  	[smem:$0x3F9B] =	sst lr;
	_ =	strace $0xD0000000  }
0x3: {  	_ = 	snop  }
0x4: {  	_ = 	snop  }
0x5: {  	_ = 	snop  }
0x6: {  	_ = 	snop  }
0x7: {  	_ = 	snop  }
__scs_overlays_trampoline_lowered:
0x8: {  	[smem:$0x3FAA] =	sst s0  }
0x9: {  	[smem:$0x3FAB] =	sst s1  }
0xa: {  	[smem:$0x3FAC] =	sst s2  }
0xb: {  	[smem:$0x3FAD] =	sst s3  }
0xc: {  	[smem:$0x3FAE] =	sst s4  }
0xd: {  	[smem:$0x3FAF] =	sst s5  }
0xe: {  	[smem:$0x3FB0] =	sst s6  }
0xf: {  	[smem:$0x3FB1] =	sst s7  }
0x10: {  	[smem:$0x3FB2] =	sst s8  }
0x11: {  	[smem:$0x3FB3] =	sst s9;
	s0 =	simm.s32 @!p0 $0x0  }
0x12: {  	s1 =	sld [smem:$0x3F99];
	s0 =	simm.s32 @p0 $0x1  }
0x13: {  	[smem:$0x3FB4] =	sst s0;
	s0 =	simm.s32 @!p1 $0x0  }
0x14: {  	s2 =	sld [smem:$0x3F98];
	s0 =	simm.s32 @p1 $0x1  }
0x15: {  	[smem:$0x3FB5] =	sst s0;
	s0 =	simm.s32 @!p2 $0x0  }
0x16: {  	s3 =	sld [smem:$0x3FDB];
	s0 =	simm.s32 @p2 $0x1  }
0x17: {  	s4 =	simm.s32 $0x1BF5;
	[smem:$0x3FB7] =	sst s0  }
0x18: {  	s0 =	sld [smem:$0x3F9A];
	_ =	swait.ge [sflag:s4], $0x0  }
0x19: {  	s7 =	sld [smem:$0x3F9B]  }
0x1a: {  	s8 =	sadd.s32 $0xFFFFE003, lr  }
0x1b: {  	s9 =	sadd.s32 $0xFFFFFEF7, lr;
	s5 =	simm.s32 $0xFFFFFFFF;
	p2 =	slt.u32 s8, $0xFFFFF086  }
0x1c: {  	p1 =	slt.u32 s9, $0xF7A;
	s5 =	simm.s32 @!p2 $0x0  }
0x1d: {  	s5 =	simm.s32 @p1 $0x1;
	p0 =	seq.s32 s7, s2  }
0x1e: {  	s7 =	smul.u32 @!p0 $0xF7A, s2;
	p2 =	seq.s32 @!p0 s5, $0x0  }
0x1f: {  	s9 =	smul.u32 $0xF7A, s1;
	s8 =	simm.s32 @!p0 $0x1BF5;
	p2 =	por !p2, p0  }
0x20: {  	[sflag:s8] =	ssyncset.s32 @!p0 $0xFFFFF086;
	s6 =	sadd.s32 @!p0 s3, s7;
	s7 =	simm.s32 @!p0 $0x108  }
0x21: {  	s3 =	sadd.s32 s3, s9;
	s6 =	sadd.s32 @!p0 $0x88, s6;
	s7 =	simm.s32 @p2 $0x1082  }
0x22: {  	[simem:s7], [sflag:s8] =	dma.local @!p0 [hbm:s6], $0xF7A  }
0x23: {  	s9 =	sor.u32 $0xD0000000, s2;
	s6 =	simm.s32 $0x108;
	_ =	swait.ge @!p0 [sflag:s8], $0x0  }
0x24: {  	s3 =	sadd.s32 $0x88, s3;
	s6 =	simm.s32 @!p1 $0x1082;
	[sflag:s4] =	ssyncset.s32 $0xFFFFF086  }
0x25: {  	[simem:s6], [sflag:s4] =	dma.local [hbm:s3], $0xF7A  }
0x26: {  	[smem:$0x3F9B] =	sst s1;
	(tag) =	ssettag s2;
	_ =	strace s9  }
0x27: {  	s1 =	sld [smem:$0x3FAB]  }
0x28: {  	s2 =	sld [smem:$0x3FAC]  }
0x29: {  	s4 =	sld [smem:$0x3FAE]  }
0x2a: {  	p0 =	seq.s32 s5, $0x0;
	s5 =	sld [smem:$0x3FAF]  }
0x2b: {  	s6 =	sld [smem:$0x3FB0]  }
0x2c: {  	s7 =	sld [smem:$0x3FB1]  }
0x2d: {  	s3 =	simm.s32 $0x108;
	s8 =	sld [smem:$0x3FB2]  }
0x2e: {  	s3 =	simm.s32 @!p0 $0x1082;
	s9 =	sld [smem:$0x3FB3]  }
0x2f: {  	lr =	sadd.s32 s0, s3;
	s0 =	sld [smem:$0x3FAA]  }
0x30: {  	s3 =	sld [smem:$0x3FAD]  }
0x31: {  	[smem:$0x3FB6] =	sst s10  }
0x32: {  	s10 =	sld [smem:$0x3FB4];
	_ =	sdelay $0x3  }
0x33: {  	p0 =	seq.s32 s10, $0x1;
	s10 =	sld [smem:$0x3FB6];
	_ =	sdelay $0x3  }
0x34: {  	[smem:$0x3FB6] =	sst s10  }
0x35: {  	s10 =	sld [smem:$0x3FB5];
	_ =	sdelay $0x3  }
0x36: {  	p1 =	seq.s32 s10, $0x1;
	s10 =	sld [smem:$0x3FB6];
	_ =	sdelay $0x3  }
0x37: {  	[smem:$0x3FB6] =	sst s10  }
0x38: {  	s10 =	sld [smem:$0x3FB7]  }
0x39: {  	_ = 	snop;
	(pc) =	sbr.ind lr, $3  }
0x3a: {  	_ = 	snop  }
0x3b: {  	_ = 	snop  }
0x3c: {  	p2 =	seq.s32 s10, $0x1;
	s10 =	sld [smem:$0x3FB6]  }
0x3d: {  	_ =	shalt  }
0x3e: {  	_ =	shalt  }
0x3f: {  	_ =	shalt  }
0x40: {  	_ =	shalt  }
0x41: {  	_ =	shalt  }
0x42: {  	_ =	shalt  }
0x43: {  	_ =	shalt  }
0x44: {  	_ =	shalt  }
0x45: {  	_ =	shalt  }
0x46: {  	_ =	shalt  }
0x47: {  	_ =	shalt  }
0x48: {  	_ =	shalt  }
0x49: {  	_ =	shalt  }
0x4a: {  	_ =	shalt  }
0x4b: {  	_ =	shalt  }
0x4c: {  	_ =	shalt  }
0x4d: {  	_ =	shalt  }
0x4e: {  	_ =	shalt  }
0x4f: {  	_ =	shalt  }
0x50: {  	_ =	shalt  }
0x51: {  	_ =	shalt  }
0x52: {  	_ =	shalt  }
0x53: {  	_ =	shalt  }
0x54: {  	_ =	shalt  }
0x55: {  	_ =	shalt  }
0x56: {  	_ =	shalt  }
0x57: {  	_ =	shalt  }
0x58: {  	_ =	shalt  }
0x59: {  	_ =	shalt  }
0x5a: {  	_ =	shalt  }
0x5b: {  	_ =	shalt  }
0x5c: {  	_ =	shalt  }
0x5d: {  	_ =	shalt  }
0x5e: {  	_ =	shalt  }
0x5f: {  	_ =	shalt  }
0x60: {  	_ =	shalt  }
0x61: {  	_ =	shalt  }
0x62: {  	_ =	shalt  }
0x63: {  	_ =	shalt  }
0x64: {  	_ =	shalt  }
0x65: {  	_ =	shalt  }
0x66: {  	_ =	shalt  }
0x67: {  	_ =	shalt  }
0x68: {  	_ =	shalt  }
0x69: {  	_ =	shalt  }
0x6a: {  	_ =	shalt  }
0x6b: {  	_ =	shalt  }
0x6c: {  	_ =	shalt  }
0x6d: {  	_ =	shalt  }
0x6e: {  	_ =	shalt  }
0x6f: {  	_ =	shalt  }
0x70: {  	_ =	shalt  }
0x71: {  	_ =	shalt  }
0x72: {  	_ =	shalt  }
0x73: {  	_ =	shalt  }
0x74: {  	_ =	shalt  }
0x75: {  	_ =	shalt  }
0x76: {  	_ =	shalt  }
0x77: {  	_ =	shalt  }
0x78: {  	_ =	shalt  }
0x79: {  	_ =	shalt  }
0x7a: {  	_ =	shalt  }
0x7b: {  	_ =	shalt  }
0x7c: {  	_ =	shalt  }
0x7d: {  	_ =	shalt  }
0x7e: {  	_ =	shalt  }
0x7f: {  	_ =	shalt  }
0x80: {  	_ =	shalt  }
0x81: {  	_ =	shalt  }
0x82: {  	_ =	shalt  }
0x83: {  	_ =	shalt  }
0x84: {  	_ =	shalt  }
0x85: {  	_ =	shalt  }
0x86: {  	_ =	shalt  }
0x87: {  	_ =	shalt  }
.Lfunc_end0:
.L_simem_size_0:
called_computation.2_lowered:
.L_overlay_start_0:
0x88: {  	s2 =	sld [smem:$0x3FD9]  }
0x89: {  	s3 =	sld [smem:$0x3FFE];
	_ =	sdelay $0x1  }
0x8a: {  	s1 =	srdreg.scid  }
0x8b: {  	s0 =	sand.u32 $0x1, s1  }
0x8c: {  	s14 =	sshll.u32 s0, $0xA;
	s2 =	sadd.s32 s3, s2  }
0x8d: {  	s2 =	sadd.s32 s2, s14  }
0x8e: {  	[smem:$0x3FC2] =	sst s2  }
0x8f: {  	_ = 	snop  }
0x90: {  	s2 =	sld [smem:$0x3FD0];
	_ =	sdelay $0x2  }
0x91: {  	s15 =	simm.s32 $0xA;
	s4 =	simm.s32 $0x10  }
0x92: {  	[smem:s4], [sflag:s15] =	dma.local [hbm:s2], $0x1  }
0x93: {  	_ =	swait.eq [sflag:s15], $0x1  }
0x94: {  	[sflag:s15] =	ssyncset.done $0x0  }
0x95: {  	[sflag:s15] =	ssyncadd.s32 $0xFFFFFFFF  }
0x96: {  	s16 =	sld [smem:$0x11];
	(tm) =	ssettm $0x1  }
0x97: {  	s17 =	sld [smem:$0x3FFB];
	_ =	sdelay $0x3  }
0x98: {  	_ =	strace s17  }
0x99: {  	s3 =	sld [smem:$0x3FFC];
	_ =	sdelay $0x3  }
0x9a: {  	_ =	strace s3  }
0x9b: {  	s3 =	sld [smem:$0x3FFD];
	_ =	sdelay $0x3  }
0x9c: {  	_ =	strace s3  }
0x9d: {  	_ =	strace $0x8FFFFFFF  }
0x9e: {  	s18 =	sld [smem:$0x3FDB];
	_ =	sdelay $0x1  }
0x9f: {  	s19 =	simm.s32 $_scs_section_size  }
0xa0: {  	s5 =	simm.s32 $_size__tile_overlayer_lowered;
	s6 =	simm.s32 $_tile_overlayer_lowered  }
0xa1: {  	s22 =	simm.s32 $0x1BFF;
	s21 =	sshll.u32 s6, $0x1;
	s3 =	sadd.s32 s19, s18  }
0xa2: {  	s7 =	simm.s32 $0x0;
	s20 =	sshll.u32 s5, $0x1;
	s5 =	sadd.s32 s21, s3  }
0xa3: {  	[timem:s7], [sflag:s22] =	dma.local [hbm:s5], s20  }
0xa4: {  	_ =	swait.ge [sflag:s22], s20  }
0xa5: {  	s4 =	ssub.s32 $0x0, s20;
	[sflag:s22] =	ssyncset.done $0x0  }
0xa6: {  	[sflag:s22] =	ssyncadd.s32 s4;
	_ =	sdelay $0x1  }
0xa7: {  	s23 =	simm.s32 $0x1B8B  }
0xa8: {  	_ =	swait.ge [sflag:s23], $0x1  }
0xa9: {  	[sflag:s23] =	ssyncset.done $0x0  }
0xaa: {  	s25 =	simm.s32 $0x1B8E;
	s24 =	sld [smem:$0x3FFE];
	[sflag:s23] =	ssyncadd.s32 $0xFFFFFFFF  }
0xab: {  	s26 =	simm.s32 $execute0_lowered;
	[smem:$0x3FD2] =	sst s25  }
0xac: {  	s5 =	sshll.u32 s26, $0x1;
	_ =	strace $0x8000004C;
	[dreg:$0x1] =	wrdreg $0xFFFFFFFF  }
0xad: {  	s28 =	simm.s32 $_size_execute0_lowered;
	s3 =	sadd.s32 s3, s5;
	[dreg:$0x0] =	wrdreg $0x0  }
0xae: {  	s5 =	sshll.u32 s28, $0x1;
	[dreg:$0x2] =	wrdreg s3  }
0xaf: {  	[dreg:$0x3] =	wrdreg s5  }
0xb0: {  	[dreg:$0x4] =	wrdreg $0xC0  }
0xb1: {  	_ =	task [dreg:s7], $0x5FFFF  }
0xb2: {  	[dreg:$0x1] =	wrdreg $0xFFFFFFFF  }
0xb3: {  	[dreg:$0x0] =	wrdreg $0x60  }
0xb4: {  	[dreg:$0x2] =	wrdreg s24  }
0xb5: {  	[dreg:$0x3] =	wrdreg s16  }
0xb6: {  	[dreg:$0x4] =	wrdreg $0xA8000  }
0xb7: {  	[dreg:$0x5] =	wrdreg $0x9  }
0xb8: {  	_ =	task.clear_ibuf [dreg:s7], $0x6FFFF;
	_ =	strace $0x9000004C  }
0xb9: {  	s29 =	simm.s32 $0x9;
	_ =	strace $0x8000004E  }
0xba: {  	_ =	swait.ge [sflag:s29], $0x1  }
0xbb: {  	[sflag:s29] =	ssyncadd.s32 $0xFFFFFFFF  }
0xbc: {  	_ =	strace $0x9000004E  }
0xbd: {  	_ =	sfence  }
0xbe: {  	s30 =	sld [smem:$0x0];
	_ =	sdelay $0x2  }
0xbf: {  	s31 =	sshll.u32 s1, $0xD;
	s1 =	sshrl.u32 s1, $0x2  }
0xc0: {  	s3 =	sand.u32 $0x4000, s31;
	s1 =	sadd.s32 s1, s30  }
0xc1: {  	s0 =	sor.u32 s3, s0;
	s1 =	sshll.u32 s1, $0x11  }
0xc2: {  	s0 =	sor.u32 s1, s0  }
0xc3: {  	s0 =	sadd.s32 $0x8F2B, s0  }
0xc4: {  	[sflag:s0] =	ssyncadd.remote.s32 $0x1  }
0xc5: {  	_ =	sfence.sel $0xFFFF  }
0xc6: {  	[dreg:$0x0] =	wrdreg $0xFFFFFFFF;
	(pc) =	sbr.abs _section_cstart, $3  }
0xc7: {  	[dreg:$0x1] =	wrdreg $0xFFFFFFFF  }
0xc8: {  	_ =	task.clear_ibuf [dreg:s7], $0x2FFFF;
	_ =	strace $0x9FFFFFFF  }
0xc9: {  	(tm) =	ssettm $0x7FFFFFFF  }
tec
execute0_lowered:
.L_overlay_start_1:
0x0: {  	(tag) =	ssettag $0x1  }
0x1: {  	s5 =	rddreg [dreg:$0x0]  }
0x2: {  	s8 =	rddreg [dreg:$0x1]  }
0x3: {  	s1 =	rddreg [dreg:$0x2];
	s2 =	srdreg.scid  }
0x4: {  	s0 =	rddreg [dreg:$0x3];
	s3 =	simm.s32 $0x0;
	s15 =	simm.s32 $0x2800  }
0x5: {  	s16 =	simm.s32 $0x6800;
	s19 =	simm.s32 $0x1;
	s20 =	simm.s32 $0x2  }
0x6: {  	s21 =	simm.s32 $0x2700;
	s22 =	simm.s32 $0x2780;
	s23 =	simm.s32 $0x0  }
0x7: {  	s7 =	sand.u32 $0x1, s2;
	s2 =	stileid.u32;
	[smem:$0x7FF] =	sst s3  }
0x8: {  	s4 =	sadd.s32 $0xC000, s5;
	s26 =	sadd.s32 $0x2000, s5;
	s6 =	smul.u32 $0x140000, s7  }
0x9: {  	s11 =	sadd.s32 $0x34000, s5;
	s9 =	smul.u32 $0x14000, s2;
	_ =	strace $0x8000004D  }
0xa: {  	s10 =	sshll.u32 s2, $0x1;
	s28 =	ssub.s32 $0x2, s7;
	s13 =	smul.u32 $0x50000, s2  }
0xb: {  	p0 =	seq.s32 s7, $0x0;
	s31 =	smul.u32 $0x2800, s2;
	s17 =	sshll.u32 s2, $0x6  }
0xc: {  	s25 =	sor.u32 s7, s10;
	s29 =	sshrl.u32 s28, $0x1;
	s11 =	smov.u32 @p0 s4  }
0xd: {  	s17 =	sor.u32 $0x1C03, s17;
	s6 =	sadd.s32 s9, s6;
	s9 =	smul.u32 $0x2800, s25  }
0xe: {  	s14 =	ssub.s32 s28, s29;
	s30 =	sshrl.u32 s13, $0x2;
	s11 =	sadd.s32 s11, s31  }
0xf: {  	s13 =	simm.s32 $0x1400;
	s6 =	sshrl.u32 s6, $0x3;
	s18 =	sadd.s32 s30, s1  }
0x10: {  	s10 =	smax.u32 s14, $0x1;
	s12 =	sadd.s32 s6, s5;
	s9 =	sshrl.u32 s9, $0x3  }
0x11: {  	s5 =	sadd.s32 s26, s9;
	s6 =	sadd.s32 s8, s9;
	s9 =	sadd.s32 $0x280, s9  }
0x12: {  	s14 =	simm.s32 $0x80;
	s18 =	sshrl.u32 s18, $0x3;
	s7 =	sadd.s32 s26, s9  }
0x13: {  	s8 =	sadd.s32 s8, s9;
	s9 =	sadd.s32 $0x5C000, s12;
	s12 =	simm.s32 $0x3  }
.LBB2_1:
0x14: {  	[tilespmem:s3], [sflag:$0x3] =	stream.linear.gather [hbm4b:s5+s3], $0x1400, $0x38;
	[tilespmem:$0x1E800] =	vst v63  }
0x15: {  	_ =	swait.ge [sflag:s12], $0x1400  }
0x16: {  	[sflag:s12] =	ssyncset.done $0x0  }
0x17: {  	[sflag:s12] =	ssyncadd.s32 $0xFFFFEC00  }
0x18: {  	[tilespmem:s13], [sflag:$0x3] =	stream.linear.gather [hbm4b:s6+s3], $0x1400, $0x38;
	[tilespmem:$0x1E800] =	vst v63  }
0x19: {  	_ =	swait.ge [sflag:s12], $0x1400  }
0x1a: {  	[sflag:s12] =	ssyncset.done $0x0  }
0x1b: {  	[sflag:s12] =	ssyncadd.s32 $0xFFFFEC00  }
0x1c: {  	[tilespmem:s15], [sflag:$0x1] =	stream.indirect.gather [hbm4b:s4+s14], $0x80, s3, s14, $0xb8;
	[tilespmem:$0x1E800] =	vst v63  }
0x1d: {  	_ = 	snop  }
0x1e: {  	[tilespmem:s16], [sflag:$0x2] =	stream.indirect.gather [hbm4b:s4+s14], $0x80, s14, s14, $0xb8;
	[tilespmem:$0x1E800] =	vst v63  }
0x1f: {  	[spmem:s18], [sflag:s17] =	dma.local [hbm:s11], $0x2800  }
0x20: {  	_ =	swait.ge [sflag:s12], $0x2800  }
0x21: {  	[sflag:s12] =	ssyncset.done $0x0  }
0x22: {  	[sflag:s12] =	ssyncadd.s32 $0xFFFFD800  }
0x23: {  	[bflag:$0x0] =	sbarrier.arrive $0xFFFF  }
0x24: {  	_ =	swait.ge [sflag:s19], $0x4000  }
0x25: {  	[sflag:s19] =	ssyncset.done $0x0  }
0x26: {  	s24 =	simm.s32 $0x1400;
	[sflag:s19] =	ssyncadd.s32 $0xFFFFC000  }
0x27: {  	[spmem:s1] =	stream.indirect.scatter.add.f32 [tilespmem:s15], [sflag:$0x3], $0x80, s24, s14, $0xb8;
	[tilespmem:$0x1E800] =	vst v63  }
0x28: {  	_ =	swait.ge [sflag:s12], $0x4000  }
0x29: {  	[sflag:s12] =	ssyncset.done $0x0  }
0x2a: {  	s30 =	simm.s32 $0x100;
	[sflag:s12] =	ssyncadd.s32 $0xFFFFC000  }
0x2b: {  	[tilespmem:s15], [sflag:$0x1] =	stream.indirect.gather [hbm4b:s4+s14], $0x80, s30, s14, $0xb8;
	[tilespmem:$0x1E800] =	vst v63  }
0x2c: {  	_ =	swait.ge [sflag:s20], $0x4000  }
0x2d: {  	[sflag:s20] =	ssyncset.done $0x0  }
0x2e: {  	s31 =	simm.s32 $0x1480;
	[sflag:s20] =	ssyncadd.s32 $0xFFFFC000  }
0x2f: {  	[spmem:s1] =	stream.indirect.scatter.add.f32 [tilespmem:s16], [sflag:$0x3], $0x80, s31, s14, $0xb8;
	[tilespmem:$0x1E800] =	vst v63  }
0x30: {  	_ =	swait.ge [sflag:s12], $0x4000  }
0x31: {  	[sflag:s12] =	ssyncset.done $0x0  }
0x32: {  	s25 =	simm.s32 $0x180;
	s24 =	simm.s32 $0x400;
	[sflag:s12] =	ssyncadd.s32 $0xFFFFC000  }
.LBB2_2:
0x33: {  	[tilespmem:s16], [sflag:$0x2] =	stream.indirect.gather [hbm4b:s4+s14], $0x80, s25, s14, $0xb8;
	[tilespmem:$0x1E800] =	vst v63  }
0x34: {  	s25 =	smov.u32 s24  }
0x35: {  	p0 =	sne.s32 s24, $0x4800;
	s24 =	sadd.s32 $0x400, s24;
	_ =	swait.ge [sflag:s19], $0x4000  }
0x36: {  	s25 =	sshra.s32 s25, $0x2;
	[sflag:s19] =	ssyncset.done $0x0  }
0x37: {  	s26 =	sadd.s32 $0x1400, s25;
	[sflag:s19] =	ssyncadd.s32 $0xFFFFC000  }
0x38: {  	[spmem:s1] =	stream.indirect.scatter.add.f32 [tilespmem:s15], [sflag:$0x3], $0x80, s26, s14, $0xb8;
	[tilespmem:$0x1E800] =	vst v63  }
0x39: {  	_ =	swait.ge [sflag:s12], $0x4000  }
0x3a: {  	[sflag:s12] =	ssyncset.done $0x0  }
0x3b: {  	s26 =	sadd.s32 $0x100, s25;
	[sflag:s12] =	ssyncadd.s32 $0xFFFFC000  }
0x3c: {  	[tilespmem:s15], [sflag:$0x1] =	stream.indirect.gather [hbm4b:s4+s14], $0x80, s26, s14, $0xb8;
	[tilespmem:$0x1E800] =	vst v63  }
0x3d: {  	_ =	swait.ge [sflag:s20], $0x4000  }
0x3e: {  	[sflag:s20] =	ssyncset.done $0x0  }
.Ltmp0:
0x3f: {  	s26 =	sadd.s32 $0x1480, s25;
	[sflag:s20] =	ssyncadd.s32 $0xFFFFC000;
	(pc) =	sbr.rel @p0 .LBB2_2-.Ltmp0, $4  }
0x40: {  	[spmem:s1] =	stream.indirect.scatter.add.f32 [tilespmem:s16], [sflag:$0x3], $0x80, s26, s14, $0xb8;
	[tilespmem:$0x1E800] =	vst v63  }
0x41: {  	_ =	swait.ge [sflag:s12], $0x4000  }
0x42: {  	[sflag:s12] =	ssyncset.done $0x0  }
0x43: {  	s25 =	sadd.s32 $0x180, s25;
	[sflag:s12] =	ssyncadd.s32 $0xFFFFC000  }
0x44: {  	[tilespmem:s16], [sflag:$0x2] =	stream.indirect.gather [hbm4b:s4+s14], $0x80, s25, s14, $0xb8;
	[tilespmem:$0x1E800] =	vst v63  }
0x45: {  	_ =	swait.ge [sflag:s19], $0x4000  }
0x46: {  	[sflag:s19] =	ssyncset.done $0x0  }
0x47: {  	[sflag:s19] =	ssyncadd.s32 $0xFFFFC000  }
0x48: {  	[spmem:s1] =	stream.indirect.scatter.add.f32 [tilespmem:s15], [sflag:$0x3], $0x80, s21, s14, $0xb8;
	[tilespmem:$0x1E800] =	vst v63  }
0x49: {  	_ =	swait.ge [sflag:s12], $0x4000  }
0x4a: {  	[sflag:s12] =	ssyncset.done $0x0  }
0x4b: {  	[sflag:s12] =	ssyncadd.s32 $0xFFFFC000  }
0x4c: {  	_ =	swait.ge [sflag:s20], $0x4000  }
0x4d: {  	[sflag:s20] =	ssyncset.done $0x0  }
0x4e: {  	[sflag:s20] =	ssyncadd.s32 $0xFFFFC000  }
0x4f: {  	[spmem:s1] =	stream.indirect.scatter.add.f32 [tilespmem:s16], [sflag:$0x3], $0x80, s22, s14, $0xb8;
	[tilespmem:$0x1E800] =	vst v63  }
0x50: {  	_ =	swait.ge [sflag:s12], $0x4000  }
0x51: {  	[sflag:s12] =	ssyncset.done $0x0  }
0x52: {  	s24 =	simm.s32 $0x0;
	[sflag:s12] =	ssyncadd.s32 $0xFFFFC000  }
0x53: {  	[tilespmem:s24], [sflag:$0x3] =	stream.linear.gather [hbm4b:s7+s24], $0x1400, $0x38;
	[tilespmem:$0x1E800] =	vst v63  }
0x54: {  	_ =	swait.ge [sflag:s12], $0x1400  }
0x55: {  	[sflag:s12] =	ssyncset.done $0x0  }
0x56: {  	[sflag:s12] =	ssyncadd.s32 $0xFFFFEC00  }
0x57: {  	[tilespmem:s13], [sflag:$0x3] =	stream.linear.gather [hbm4b:s8+s24], $0x1400, $0x38;
	[tilespmem:$0x1E800] =	vst v63  }
0x58: {  	_ =	swait.ge [sflag:s12], $0x1400  }
0x59: {  	[sflag:s12] =	ssyncset.done $0x0  }
0x5a: {  	[sflag:s12] =	ssyncadd.s32 $0xFFFFEC00  }
0x5b: {  	[tilespmem:s15], [sflag:$0x1] =	stream.indirect.gather [hbm4b:s4+s14], $0x80, s24, s14, $0xb8;
	[tilespmem:$0x1E800] =	vst v63  }
0x5c: {  	_ = 	snop  }
0x5d: {  	[tilespmem:s16], [sflag:$0x2] =	stream.indirect.gather [hbm4b:s4+s14], $0x80, s14, s14, $0xb8;
	[tilespmem:$0x1E800] =	vst v63  }
0x5e: {  	_ =	swait.ge [sflag:s19], $0x4000  }
0x5f: {  	[sflag:s19] =	ssyncset.done $0x0  }
0x60: {  	s29 =	simm.s32 $0x1400;
	[sflag:s19] =	ssyncadd.s32 $0xFFFFC000  }
0x61: {  	[spmem:s1] =	stream.indirect.scatter.add.f32 [tilespmem:s15], [sflag:$0x3], $0x80, s29, s14, $0xb8;
	[tilespmem:$0x1E800] =	vst v63  }
0x62: {  	_ =	swait.ge [sflag:s12], $0x4000  }
0x63: {  	[sflag:s12] =	ssyncset.done $0x0  }
0x64: {  	s30 =	simm.s32 $0x100;
	[sflag:s12] =	ssyncadd.s32 $0xFFFFC000  }
0x65: {  	[tilespmem:s15], [sflag:$0x1] =	stream.indirect.gather [hbm4b:s4+s14], $0x80, s30, s14, $0xb8;
	[tilespmem:$0x1E800] =	vst v63  }
0x66: {  	_ =	swait.ge [sflag:s20], $0x4000  }
0x67: {  	[sflag:s20] =	ssyncset.done $0x0  }
0x68: {  	s31 =	simm.s32 $0x1480;
	[sflag:s20] =	ssyncadd.s32 $0xFFFFC000  }
0x69: {  	[spmem:s1] =	stream.indirect.scatter.add.f32 [tilespmem:s16], [sflag:$0x3], $0x80, s31, s14, $0xb8;
	[tilespmem:$0x1E800] =	vst v63  }
0x6a: {  	_ =	swait.ge [sflag:s12], $0x4000  }
0x6b: {  	[sflag:s12] =	ssyncset.done $0x0  }
0x6c: {  	s25 =	simm.s32 $0x180;
	s24 =	simm.s32 $0x400;
	[sflag:s12] =	ssyncadd.s32 $0xFFFFC000  }
.LBB2_4:
0x6d: {  	[tilespmem:s16], [sflag:$0x2] =	stream.indirect.gather [hbm4b:s4+s14], $0x80, s25, s14, $0xb8;
	[tilespmem:$0x1E800] =	vst v63  }
0x6e: {  	s25 =	smov.u32 s24  }
0x6f: {  	p0 =	sne.s32 s24, $0x4800;
	s24 =	sadd.s32 $0x400, s24;
	_ =	swait.ge [sflag:s19], $0x4000  }
0x70: {  	s25 =	sshra.s32 s25, $0x2;
	[sflag:s19] =	ssyncset.done $0x0  }
0x71: {  	s26 =	sadd.s32 $0x1400, s25;
	[sflag:s19] =	ssyncadd.s32 $0xFFFFC000  }
0x72: {  	[spmem:s1] =	stream.indirect.scatter.add.f32 [tilespmem:s15], [sflag:$0x3], $0x80, s26, s14, $0xb8;
	[tilespmem:$0x1E800] =	vst v63  }
0x73: {  	_ =	swait.ge [sflag:s12], $0x4000  }
0x74: {  	[sflag:s12] =	ssyncset.done $0x0  }
0x75: {  	s26 =	sadd.s32 $0x100, s25;
	[sflag:s12] =	ssyncadd.s32 $0xFFFFC000  }
0x76: {  	[tilespmem:s15], [sflag:$0x1] =	stream.indirect.gather [hbm4b:s4+s14], $0x80, s26, s14, $0xb8;
	[tilespmem:$0x1E800] =	vst v63  }
0x77: {  	_ =	swait.ge [sflag:s20], $0x4000  }
0x78: {  	[sflag:s20] =	ssyncset.done $0x0  }
.Ltmp1:
0x79: {  	s26 =	sadd.s32 $0x1480, s25;
	[sflag:s20] =	ssyncadd.s32 $0xFFFFC000;
	(pc) =	sbr.rel @p0 .LBB2_4-.Ltmp1, $4  }
0x7a: {  	[spmem:s1] =	stream.indirect.scatter.add.f32 [tilespmem:s16], [sflag:$0x3], $0x80, s26, s14, $0xb8;
	[tilespmem:$0x1E800] =	vst v63  }
0x7b: {  	_ =	swait.ge [sflag:s12], $0x4000  }
0x7c: {  	[sflag:s12] =	ssyncset.done $0x0  }
0x7d: {  	s25 =	sadd.s32 $0x180, s25;
	[sflag:s12] =	ssyncadd.s32 $0xFFFFC000  }
0x7e: {  	[tilespmem:s16], [sflag:$0x2] =	stream.indirect.gather [hbm4b:s4+s14], $0x80, s25, s14, $0xb8;
	[tilespmem:$0x1E800] =	vst v63  }
0x7f: {  	_ =	swait.ge [sflag:s19], $0x4000  }
0x80: {  	[sflag:s19] =	ssyncset.done $0x0  }
0x81: {  	[sflag:s19] =	ssyncadd.s32 $0xFFFFC000  }
0x82: {  	[spmem:s1] =	stream.indirect.scatter.add.f32 [tilespmem:s15], [sflag:$0x3], $0x80, s21, s14, $0xb8;
	[tilespmem:$0x1E800] =	vst v63  }
0x83: {  	_ =	swait.ge [sflag:s12], $0x4000  }
0x84: {  	[sflag:s12] =	ssyncset.done $0x0  }
0x85: {  	[sflag:s12] =	ssyncadd.s32 $0xFFFFC000  }
0x86: {  	_ =	swait.ge [sflag:s20], $0x4000  }
0x87: {  	[sflag:s20] =	ssyncset.done $0x0  }
0x88: {  	[sflag:s20] =	ssyncadd.s32 $0xFFFFC000  }
0x89: {  	[spmem:s1] =	stream.indirect.scatter.add.f32 [tilespmem:s16], [sflag:$0x3], $0x80, s22, s14, $0xb8;
	[tilespmem:$0x1E800] =	vst v63  }
0x8a: {  	_ =	swait.ge [sflag:s12], $0x4000  }
0x8b: {  	s23 =	sadd.s32 $0x1, s23;
	[sflag:s12] =	ssyncset.done $0x0  }
0x8c: {  	p0 =	sne.s32 s23, s10;
	[sflag:s12] =	ssyncadd.s32 $0xFFFFC000  }
.Ltmp2:
0x8d: {  	[bflag:$0x0] =	sbarrier.arrive $0xFFFF;
	(pc) =	sbr.rel @p0 .LBB2_1-.Ltmp2, $4  }
0x8e: {  	[hbm:s9], [sflag:s17] =	dma.local [spmem:s18], $0x2800  }
0x8f: {  	_ =	swait.ge [sflag:s12], $0x2800  }
0x90: {  	[sflag:s12] =	ssyncset.done $0x0  }
0x91: {  	[sflag:s12] =	ssyncadd.s32 $0xFFFFD800  }
0x92: {  	_ =	sfence.sel $0x180000  }
0x93: {  	[bflag:$0x0] =	sbarrier.arrive $0xFFFF  }
0x94: {  	p0 =	sne.s32 s2, $0x0;
	_ =	strace $0x9000004D  }
0x95: {  	s0 =	sadd.s32 @!p0 $0x100000, s0;
	[bflag:$0x2] =	sbarrier.arrive $0xFFFF  }
0x96: {  	[sflag:s0] =	ssyncadd.tile.s32 @!p0 $0x1;
	_ =	shalt  }
.Lfunc_end2:
_tile_overlayer_lowered:
.L_overlay_start_2:
0x97: {  	(tag) =	ssettag $0x2  }
0x98: {  	s0 =	rddreg [dreg:$0x0];
	s2 =	stileid.u32  }
0x99: {  	s1 =	rddreg [dreg:$0x1];
	p0 =	sne.s32 s2, $0x0  }
0x9a: {  	s3 =	rddreg [dreg:$0x2];
	[bflag:$0x3] =	sbarrier.arrive $0xFFFF;
	s2 =	simm.s32 @!p0 $0x1C03  }
0x9b: {  	[timem:s3], [sflag:s2] =	dma.local @!p0 [hbm:s0], s1  }
0x9c: {  	s0 =	simm.s32 @!p0 $0x3  }
0x9d: {  	_ =	swait.ge @!p0 [sflag:s0], s1  }
0x9e: {  	s1 =	ssub.s32 @!p0 $0x0, s1;
	[sflag:s0] =	ssyncset.done @!p0 $0x0  }
0x9f: {  	[sflag:s0] =	ssyncadd.s32 @!p0 s1  }
0xa0: {  	[bflag:$0x3] =	sbarrier.arrive $0xFFFF  }
0xa1: {  	_ =	shalt  }

// kernel: kernel.8.cloned.1.call-start
scs
__scs_entry_jumppad:
0x0: {  	(pc) =	sbr.rel $0x88, $3  }
0x1: {  	(tag) =	ssettag $0x0;
	lr =	simm.s32 $0x1  }
0x2: {  	[smem:$0x3F9B] =	sst lr;
	_ =	strace $0xD0000000  }
0x3: {  	_ = 	snop  }
0x4: {  	_ = 	snop  }
0x5: {  	_ = 	snop  }
0x6: {  	_ = 	snop  }
0x7: {  	_ = 	snop  }
__scs_overlays_trampoline_lowered:
0x8: {  	[smem:$0x3FAA] =	sst s0  }
0x9: {  	[smem:$0x3FAB] =	sst s1  }
0xa: {  	[smem:$0x3FAC] =	sst s2  }
0xb: {  	[smem:$0x3FAD] =	sst s3  }
0xc: {  	[smem:$0x3FAE] =	sst s4  }
0xd: {  	[smem:$0x3FAF] =	sst s5  }
0xe: {  	[smem:$0x3FB0] =	sst s6  }
0xf: {  	[smem:$0x3FB1] =	sst s7  }
0x10: {  	[smem:$0x3FB2] =	sst s8  }
0x11: {  	[smem:$0x3FB3] =	sst s9;
	s0 =	simm.s32 @!p0 $0x0  }
0x12: {  	s1 =	sld [smem:$0x3F99];
	s0 =	simm.s32 @p0 $0x1  }
0x13: {  	[smem:$0x3FB4] =	sst s0;
	s0 =	simm.s32 @!p1 $0x0  }
0x14: {  	s2 =	sld [smem:$0x3F98];
	s0 =	simm.s32 @p1 $0x1  }
0x15: {  	[smem:$0x3FB5] =	sst s0;
	s0 =	simm.s32 @!p2 $0x0  }
0x16: {  	s3 =	sld [smem:$0x3FDB];
	s0 =	simm.s32 @p2 $0x1  }
0x17: {  	s4 =	simm.s32 $0x1BF5;
	[smem:$0x3FB7] =	sst s0  }
0x18: {  	s0 =	sld [smem:$0x3F9A];
	_ =	swait.ge [sflag:s4], $0x0  }
0x19: {  	s7 =	sld [smem:$0x3F9B]  }
0x1a: {  	s8 =	sadd.s32 $0xFFFFE003, lr  }
0x1b: {  	s9 =	sadd.s32 $0xFFFFFEF7, lr;
	s5 =	simm.s32 $0xFFFFFFFF;
	p2 =	slt.u32 s8, $0xFFFFF086  }
0x1c: {  	p1 =	slt.u32 s9, $0xF7A;
	s5 =	simm.s32 @!p2 $0x0  }
0x1d: {  	s5 =	simm.s32 @p1 $0x1;
	p0 =	seq.s32 s7, s2  }
0x1e: {  	s7 =	smul.u32 @!p0 $0xF7A, s2;
	p2 =	seq.s32 @!p0 s5, $0x0  }
0x1f: {  	s9 =	smul.u32 $0xF7A, s1;
	s8 =	simm.s32 @!p0 $0x1BF5;
	p2 =	por !p2, p0  }
0x20: {  	[sflag:s8] =	ssyncset.s32 @!p0 $0xFFFFF086;
	s6 =	sadd.s32 @!p0 s3, s7;
	s7 =	simm.s32 @!p0 $0x108  }
0x21: {  	s3 =	sadd.s32 s3, s9;
	s6 =	sadd.s32 @!p0 $0x88, s6;
	s7 =	simm.s32 @p2 $0x1082  }
0x22: {  	[simem:s7], [sflag:s8] =	dma.local @!p0 [hbm:s6], $0xF7A  }
0x23: {  	s9 =	sor.u32 $0xD0000000, s2;
	s6 =	simm.s32 $0x108;
	_ =	swait.ge @!p0 [sflag:s8], $0x0  }
0x24: {  	s3 =	sadd.s32 $0x88, s3;
	s6 =	simm.s32 @!p1 $0x1082;
	[sflag:s4] =	ssyncset.s32 $0xFFFFF086  }
0x25: {  	[simem:s6], [sflag:s4] =	dma.local [hbm:s3], $0xF7A  }
0x26: {  	[smem:$0x3F9B] =	sst s1;
	(tag) =	ssettag s2;
	_ =	strace s9  }
0x27: {  	s1 =	sld [smem:$0x3FAB]  }
0x28: {  	s2 =	sld [smem:$0x3FAC]  }
0x29: {  	s4 =	sld [smem:$0x3FAE]  }
0x2a: {  	p0 =	seq.s32 s5, $0x0;
	s5 =	sld [smem:$0x3FAF]  }
0x2b: {  	s6 =	sld [smem:$0x3FB0]  }
0x2c: {  	s7 =	sld [smem:$0x3FB1]  }
0x2d: {  	s3 =	simm.s32 $0x108;
	s8 =	sld [smem:$0x3FB2]  }
0x2e: {  	s3 =	simm.s32 @!p0 $0x1082;
	s9 =	sld [smem:$0x3FB3]  }
0x2f: {  	lr =	sadd.s32 s0, s3;
	s0 =	sld [smem:$0x3FAA]  }
0x30: {  	s3 =	sld [smem:$0x3FAD]  }
0x31: {  	[smem:$0x3FB6] =	sst s10  }
0x32: {  	s10 =	sld [smem:$0x3FB4];
	_ =	sdelay $0x3  }
0x33: {  	p0 =	seq.s32 s10, $0x1;
	s10 =	sld [smem:$0x3FB6];
	_ =	sdelay $0x3  }
0x34: {  	[smem:$0x3FB6] =	sst s10  }
0x35: {  	s10 =	sld [smem:$0x3FB5];
	_ =	sdelay $0x3  }
0x36: {  	p1 =	seq.s32 s10, $0x1;
	s10 =	sld [smem:$0x3FB6];
	_ =	sdelay $0x3  }
0x37: {  	[smem:$0x3FB6] =	sst s10  }
0x38: {  	s10 =	sld [smem:$0x3FB7]  }
0x39: {  	_ = 	snop;
	(pc) =	sbr.ind lr, $3  }
0x3a: {  	_ = 	snop  }
0x3b: {  	_ = 	snop  }
0x3c: {  	p2 =	seq.s32 s10, $0x1;
	s10 =	sld [smem:$0x3FB6]  }
0x3d: {  	_ =	shalt  }
0x3e: {  	_ =	shalt  }
0x3f: {  	_ =	shalt  }
0x40: {  	_ =	shalt  }
0x41: {  	_ =	shalt  }
0x42: {  	_ =	shalt  }
0x43: {  	_ =	shalt  }
0x44: {  	_ =	shalt  }
0x45: {  	_ =	shalt  }
0x46: {  	_ =	shalt  }
0x47: {  	_ =	shalt  }
0x48: {  	_ =	shalt  }
0x49: {  	_ =	shalt  }
0x4a: {  	_ =	shalt  }
0x4b: {  	_ =	shalt  }
0x4c: {  	_ =	shalt  }
0x4d: {  	_ =	shalt  }
0x4e: {  	_ =	shalt  }
0x4f: {  	_ =	shalt  }
0x50: {  	_ =	shalt  }
0x51: {  	_ =	shalt  }
0x52: {  	_ =	shalt  }
0x53: {  	_ =	shalt  }
0x54: {  	_ =	shalt  }
0x55: {  	_ =	shalt  }
0x56: {  	_ =	shalt  }
0x57: {  	_ =	shalt  }
0x58: {  	_ =	shalt  }
0x59: {  	_ =	shalt  }
0x5a: {  	_ =	shalt  }
0x5b: {  	_ =	shalt  }
0x5c: {  	_ =	shalt  }
0x5d: {  	_ =	shalt  }
0x5e: {  	_ =	shalt  }
0x5f: {  	_ =	shalt  }
0x60: {  	_ =	shalt  }
0x61: {  	_ =	shalt  }
0x62: {  	_ =	shalt  }
0x63: {  	_ =	shalt  }
0x64: {  	_ =	shalt  }
0x65: {  	_ =	shalt  }
0x66: {  	_ =	shalt  }
0x67: {  	_ =	shalt  }
0x68: {  	_ =	shalt  }
0x69: {  	_ =	shalt  }
0x6a: {  	_ =	shalt  }
0x6b: {  	_ =	shalt  }
0x6c: {  	_ =	shalt  }
0x6d: {  	_ =	shalt  }
0x6e: {  	_ =	shalt  }
0x6f: {  	_ =	shalt  }
0x70: {  	_ =	shalt  }
0x71: {  	_ =	shalt  }
0x72: {  	_ =	shalt  }
0x73: {  	_ =	shalt  }
0x74: {  	_ =	shalt  }
0x75: {  	_ =	shalt  }
0x76: {  	_ =	shalt  }
0x77: {  	_ =	shalt  }
0x78: {  	_ =	shalt  }
0x79: {  	_ =	shalt  }
0x7a: {  	_ =	shalt  }
0x7b: {  	_ =	shalt  }
0x7c: {  	_ =	shalt  }
0x7d: {  	_ =	shalt  }
0x7e: {  	_ =	shalt  }
0x7f: {  	_ =	shalt  }
0x80: {  	_ =	shalt  }
0x81: {  	_ =	shalt  }
0x82: {  	_ =	shalt  }
0x83: {  	_ =	shalt  }
0x84: {  	_ =	shalt  }
0x85: {  	_ =	shalt  }
0x86: {  	_ =	shalt  }
0x87: {  	_ =	shalt  }
.Lfunc_end0:
.L_simem_size_0:
called_computation_lowered:
.L_overlay_start_0:
0x88: {  	s2 =	sld [smem:$0x3FD9]  }
0x89: {  	s3 =	sld [smem:$0x3FFE];
	_ =	sdelay $0x1  }
0x8a: {  	s1 =	srdreg.scid  }
0x8b: {  	s0 =	sand.u32 $0x1, s1  }
0x8c: {  	s15 =	sshll.u32 s0, $0xA;
	s2 =	sadd.s32 s3, s2  }
0x8d: {  	s2 =	sadd.s32 s2, s15  }
0x8e: {  	[smem:$0x3FC2] =	sst s2  }
0x8f: {  	_ = 	snop  }
0x90: {  	s2 =	sld [smem:$0x3FD0];
	_ =	sdelay $0x2  }
0x91: {  	s16 =	simm.s32 $0xA;
	s4 =	simm.s32 $0x10  }
0x92: {  	[smem:s4], [sflag:s16] =	dma.local [hbm:s2], $0x1  }
0x93: {  	_ =	swait.eq [sflag:s16], $0x1  }
0x94: {  	[sflag:s16] =	ssyncset.done $0x0  }
0x95: {  	s17 =	sld [smem:$0x10];
	[sflag:s16] =	ssyncadd.s32 $0xFFFFFFFF  }
0x96: {  	s18 =	sld [smem:$0x11];
	(tm) =	ssettm $0x1  }
0x97: {  	s19 =	sld [smem:$0x3FFB];
	_ =	sdelay $0x3  }
0x98: {  	_ =	strace s19  }
0x99: {  	s4 =	sld [smem:$0x3FFC];
	_ =	sdelay $0x3  }
0x9a: {  	_ =	strace s4  }
0x9b: {  	s4 =	sld [smem:$0x3FFD];
	_ =	sdelay $0x3  }
0x9c: {  	_ =	strace s4  }
0x9d: {  	_ =	strace $0x8FFFFFFF  }
0x9e: {  	s20 =	sld [smem:$0x3FDB];
	_ =	sdelay $0x1  }
0x9f: {  	s5 =	simm.s32 $_scs_section_size  }
0xa0: {  	s6 =	simm.s32 $_size__tile_overlayer_lowered;
	s7 =	simm.s32 $_tile_overlayer_lowered  }
0xa1: {  	s23 =	simm.s32 $0x1BFF;
	s22 =	sshll.u32 s7, $0x1;
	s4 =	sadd.s32 s5, s20  }
0xa2: {  	s8 =	simm.s32 $0x0;
	s21 =	sshll.u32 s6, $0x1;
	s6 =	sadd.s32 s22, s4  }
0xa3: {  	[timem:s8], [sflag:s23] =	dma.local [hbm:s6], s21  }
0xa4: {  	_ =	swait.ge [sflag:s23], s21  }
0xa5: {  	s5 =	ssub.s32 $0x0, s21;
	[sflag:s23] =	ssyncset.done $0x0  }
0xa6: {  	[sflag:s23] =	ssyncadd.s32 s5;
	_ =	sdelay $0x1  }
0xa7: {  	s24 =	simm.s32 $0x1B8B  }
0xa8: {  	_ =	swait.ge [sflag:s24], $0x1  }
0xa9: {  	[sflag:s24] =	ssyncset.done $0x0  }
0xaa: {  	s25 =	simm.s32 $0x1B8E;
	[sflag:s24] =	ssyncadd.s32 $0xFFFFFFFF  }
0xab: {  	s26 =	simm.s32 $execute0_lowered;
	[smem:$0x3FD2] =	sst s25  }
0xac: {  	s5 =	sshll.u32 s26, $0x1;
	_ =	strace $0x80000046;
	[dreg:$0x1] =	wrdreg $0xFFFFFFFF  }
0xad: {  	s28 =	simm.s32 $_size_execute0_lowered;
	s4 =	sadd.s32 s4, s5;
	[dreg:$0x0] =	wrdreg $0x0  }
0xae: {  	s5 =	sshll.u32 s28, $0x1;
	[dreg:$0x2] =	wrdreg s4  }
0xaf: {  	[dreg:$0x3] =	wrdreg s5  }
0xb0: {  	[dreg:$0x4] =	wrdreg $0xC0  }
0xb1: {  	_ =	task [dreg:s8], $0x5FFFF  }
0xb2: {  	[dreg:$0x1] =	wrdreg $0xFFFFFFFF  }
0xb3: {  	[dreg:$0x0] =	wrdreg $0x60  }
0xb4: {  	[dreg:$0x2] =	wrdreg s18  }
0xb5: {  	[dreg:$0x3] =	wrdreg s17  }
0xb6: {  	[dreg:$0x4] =	wrdreg $0x9  }
0xb7: {  	_ =	task.clear_ibuf [dreg:s8], $0x5FFFF;
	_ =	strace $0x90000046  }
0xb8: {  	s29 =	simm.s32 $0x9;
	_ =	strace $0x80000048  }
0xb9: {  	_ =	swait.ge [sflag:s29], $0x1  }
0xba: {  	[sflag:s29] =	ssyncadd.s32 $0xFFFFFFFF  }
0xbb: {  	_ =	strace $0x90000048  }
0xbc: {  	_ =	sfence  }
0xbd: {  	s30 =	sld [smem:$0x0];
	_ =	sdelay $0x2  }
0xbe: {  	s31 =	sshll.u32 s1, $0xD;
	s1 =	sshrl.u32 s1, $0x2  }
0xbf: {  	s3 =	sand.u32 $0x4000, s31;
	s1 =	sadd.s32 s1, s30  }
0xc0: {  	s0 =	sor.u32 s3, s0;
	s1 =	sshll.u32 s1, $0x11  }
0xc1: {  	s0 =	sor.u32 s1, s0  }
0xc2: {  	s0 =	sadd.s32 $0x8F2B, s0  }
0xc3: {  	[sflag:s0] =	ssyncadd.remote.s32 $0x1  }
0xc4: {  	_ =	sfence.sel $0xFFFF  }
0xc5: {  	[dreg:$0x0] =	wrdreg $0xFFFFFFFF;
	(pc) =	sbr.abs _section_cstart, $3  }
0xc6: {  	[dreg:$0x1] =	wrdreg $0xFFFFFFFF  }
0xc7: {  	_ =	task.clear_ibuf [dreg:s8], $0x2FFFF;
	_ =	strace $0x9FFFFFFF  }
0xc8: {  	(tm) =	ssettm $0x7FFFFFFF  }
0xc9: {  	_ =	shalt  }
tec
execute0_lowered:
.L_overlay_start_1:
0x0: {  	(tag) =	ssettag $0x1  }
0x1: {  	s3 =	rddreg [dreg:$0x0]  }
0x2: {  	s4 =	rddreg [dreg:$0x1]  }
0x3: {  	s2 =	srdreg.scid;
	s1 =	stileid.u32  }
0x4: {  	s0 =	rddreg [dreg:$0x2];
	s5 =	sand.u32 $0x1, s2;
	s6 =	sshll.u32 s1, $0x1  }
0x5: {  	s2 =	simm.s32 $0x0;
	s7 =	ssub.s32 $0x2, s5;
	s5 =	sor.u32 s5, s6  }
0x6: {  	[smem:$0x7FF] =	sst s2;
	s5 =	smul.u32 $0x500, s5  }
0x7: {  	s8 =	simm.s32 $0x0;
	s31 =	sshrl.u32 s7, $0x1;
	_ =	strace $0x80000047  }
0x8: {  	s6 =	ssub.s32 s7, s31;
	s7 =	simm.s32 $0x2800;
	s3 =	sadd.s32 s3, s5  }
0x9: {  	v0 =	vimm.f32 $0.0e+00;
	v1 =	vimm.f32 $1.000000000e+00;
	s4 =	sadd.s32 s4, s5;
	s5 =	smax.u32 s6, $0x1;
	s6 =	simm.s32 $0x1  }
.LBB2_1:
0xa: {  	[tilespmem:s2], [sflag:$0x1] =	stream.linear.gather [hbm4b:s3+s2], $0x2800, $0x38;
	[tilespmem:$0x5000] =	vst v63  }
0xb: {  	_ =	swait.ge [sflag:s6], $0x2800  }
0xc: {  	[sflag:s6] =	ssyncset.done $0x0  }
0xd: {  	s9 =	simm.s32 $0x0;
	[sflag:s6] =	ssyncadd.s32 $0xFFFFD800  }
.LBB2_2:
0xe: {  	p0 =	sne.s32 s9, $0x9FC0  }
.Ltmp0:
0xf: {  	_ = 	snop;
	(pc) =	sbr.rel @p0 .LBB2_2-.Ltmp0, $3  }
0x10: {  	_ =	sdelay $0x1  }
0x11: {  	s10 =	sshra.s32 s9, $0x2  }
0x12: {  	s9 =	sadd.s32 $0x40, s9;
	[tilespmem:s10+$0x2800] =	vst v0  }
0x13: {  	s9 =	simm.s32 $0x1C0  }
.LBB2_4:
0x14: {  	s10 =	sshra.s32 s9, $0x2  }
0x15: {  	v2 =	vld [tilespmem:s10+$0xFFFFFF90];
	_ =	sdelay $0x7  }
0x16: {  	[tilespmem:v2+s7+$0x0] =	vst.idx.add.f32.msk $0xffff, v1  }
0x17: {  	v2 =	vld [tilespmem:s10+$0xFFFFFFA0];
	_ =	sdelay $0x7  }
0x18: {  	[tilespmem:v2+s7+$0x0] =	vst.idx.add.f32.msk $0xffff, v1  }
0x19: {  	v2 =	vld [tilespmem:s10+$0xFFFFFFB0];
	_ =	sdelay $0x7  }
0x1a: {  	[tilespmem:v2+s7+$0x0] =	vst.idx.add.f32.msk $0xffff, v1  }
0x1b: {  	v2 =	vld [tilespmem:s10+$0xFFFFFFC0];
	_ =	sdelay $0x7  }
0x1c: {  	[tilespmem:v2+s7+$0x0] =	vst.idx.add.f32.msk $0xffff, v1  }
0x1d: {  	v2 =	vld [tilespmem:s10+$0xFFFFFFD0];
	_ =	sdelay $0x7  }
0x1e: {  	[tilespmem:v2+s7+$0x0] =	vst.idx.add.f32.msk $0xffff, v1  }
0x1f: {  	v2 =	vld [tilespmem:s10+$0xFFFFFFE0];
	_ =	sdelay $0x7  }
0x20: {  	[tilespmem:v2+s7+$0x0] =	vst.idx.add.f32.msk $0xffff, v1  }
0x21: {  	v2 =	vld [tilespmem:s10+$0xFFFFFFF0];
	_ =	sdelay $0x7  }
0x22: {  	[tilespmem:v2+s7+$0x0] =	vst.idx.add.f32.msk $0xffff, v1  }
0x23: {  	v2 =	vld [tilespmem:s10+$0x0];
	_ =	sdelay $0x2  }
0x24: {  	p0 =	sne.s32 s9, $0x9FC0  }
.Ltmp1:
0x25: {  	_ = 	snop;
	(pc) =	sbr.rel @p0 .LBB2_4-.Ltmp1, $2  }
0x26: {  	_ =	sdelay $0x2  }
0x27: {  	s9 =	sadd.s32 $0x200, s9;
	[tilespmem:v2+s7+$0x0] =	vst.idx.add.f32.msk $0xffff, v1  }
0x28: {  	s8 =	sadd.s32 $0x1, s8  }
0x29: {  	p0 =	sne.s32 s8, s5  }
.Ltmp2:
0x2a: {  	_ = 	snop;
	(pc) =	sbr.rel @p0 .LBB2_1-.Ltmp2, $4  }
0x2b: {  	[hbm4b:s4+s2] =	stream.linear.scatter [tilespmem:s7], [sflag:$0x1], $0x2800, $0x38;
	[tilespmem:$0x5000] =	vst v63  }
0x2c: {  	_ =	swait.ge [sflag:s6], $0x2800  }
0x2d: {  	[sflag:s6] =	ssyncset.done $0x0  }
0x2e: {  	[sflag:s6] =	ssyncadd.s32 $0xFFFFD800  }
0x2f: {  	_ =	sfence.sel $0x180000  }
0x30: {  	[bflag:$0x0] =	sbarrier.arrive $0xFFFF  }
0x31: {  	p0 =	sne.s32 s1, $0x0;
	_ =	strace $0x90000047  }
0x32: {  	s0 =	sadd.s32 @!p0 $0x100000, s0;
	[bflag:$0x2] =	sbarrier.arrive $0xFFFF  }
0x33: {  	[sflag:s0] =	ssyncadd.tile.s32 @!p0 $0x1;
	_ =	shalt  }
.Lfunc_end2:
_tile_overlayer_lowered:
.L_overlay_start_2:
0x34: {  	(tag) =	ssettag $0x2  }
0x35: {  	s0 =	rddreg [dreg:$0x0];
	s2 =	stileid.u32  }
0x36: {  	s1 =	rddreg [dreg:$0x1];
	p0 =	sne.s32 s2, $0x0  }
0x37: {  	s3 =	rddreg [dreg:$0x2];
	[bflag:$0x3] =	sbarrier.arrive $0xFFFF;
	s2 =	simm.s32 @!p0 $0x1C01  }
0x38: {  	[timem:s3], [sflag:s2] =	dma.local @!p0 [hbm:s0], s1  }
0x39: {  	s0 =	simm.s32 @!p0 $0x1  }
0x3a: {  	_ =	swait.ge @!p0 [sflag:s0], s1  }
0x3b: {  	s1 =	ssub.s32 @!p0 $0x0, s1;
	[sflag:s0] =	ssyncset.done @!p0 $0x0  }
0x3c: {  	[sflag:s0] =	ssyncadd.s32 @!p0 s1  }
0x3d: {  	[bflag:$0x3] =	sbarrier.arrive $0xFFFF  }
0x3e: {  	_ =	shalt  }

</sc_bundles>
